<compile_context>
chip_gen: v7x
topology: tpu7x:2x2x1
jax: 0.10.2.dev20260603
libtpu: 0.0.44.dev20260713+nightly
codegen_flags: <defaults>
</compile_context>

<pallas_src>
import jax
import jax.numpy as jnp
from jax import lax
from jax.experimental import pallas as pl
from jax.experimental.pallas import tpu as pltpu
from jax.experimental.pallas import tpu_sc as plsc

NUM_FIELDS = 26
FIELD_SIZE = 100000
BATCH = 16384
NUM_WORKERS = 32
B_PER_W = BATCH // NUM_WORKERS
CHUNK = 32
N_CHUNKS = B_PER_W // CHUNK
LANES = 16
PREFIX = 2599936
NVAL = NUM_FIELDS * B_PER_W
LAST = NUM_FIELDS - 1
CUT = PREFIX - LAST * FIELD_SIZE
TAIL_BASE = 2599808
TAIL_OFF = TAIL_BASE - LAST * FIELD_SIZE
TAIL_LEN = 2600000 - TAIL_BASE
HALF = 13


def _sc_kernel(xt_hbm, ta_hbm, tc_hbm, bias_hbm, out_hbm,
               idx_v, val_v, ia_v, tc_v, acc_v, bias_v, sem, semb):
    wid = lax.axis_index("s") * 2 + lax.axis_index("c")
    base = wid * B_PER_W

    idx_cp = pltpu.make_async_copy(
        xt_hbm.at[:, pl.ds(base, B_PER_W)], idx_v, sem)
    idx_cp.start()

    pltpu.sync_copy(bias_hbm, bias_v)
    pltpu.sync_copy(tc_hbm, tc_v)
    idx_cp.wait()

    @pl.loop(0, HALF)
    def _fire(f):
        tview = ta_hbm.at[pl.ds(f * FIELD_SIZE, FIELD_SIZE)]
        for q in range(N_CHUNKS):
            pltpu.async_copy(
                tview.at[idx_v.at[f, pl.ds(q * CHUNK, CHUNK)]],
                val_v.at[pl.ds(f * B_PER_W + q * CHUNK, CHUNK)],
                sem,
            )

    @pl.loop(HALF, NUM_FIELDS - 1)
    def _fire2(f):
        tview = ta_hbm.at[pl.ds(f * FIELD_SIZE, FIELD_SIZE)]
        for q in range(N_CHUNKS):
            pltpu.async_copy(
                tview.at[idx_v.at[f, pl.ds(q * CHUNK, CHUNK)]],
                val_v.at[pl.ds(f * B_PER_W + q * CHUNK, CHUNK)],
                semb,
            )

    @pl.loop(0, B_PER_W, step=LANES)
    def _prep(j):
        xi = idx_v[LAST, pl.ds(j, LANES)]
        ia_v[pl.ds(j, LANES)] = jnp.minimum(xi, CUT - 1)

    tlast = ta_hbm.at[pl.ds(LAST * FIELD_SIZE, CUT)]
    for q in range(N_CHUNKS):
        pltpu.async_copy(
            tlast.at[ia_v.at[pl.ds(q * CHUNK, CHUNK)]],
            val_v.at[pl.ds(LAST * B_PER_W + q * CHUNK, CHUNK)],
            semb,
        )

    pltpu.make_async_copy(
        ta_hbm.at[pl.ds(0, HALF * B_PER_W)], val_v.at[pl.ds(0, HALF * B_PER_W)],
        sem).wait()

    @pl.loop(0, B_PER_W, step=LANES)
    def _reduce_a(j):
        acc = jnp.full((LANES,), 0.0, jnp.float32)
        for f in range(HALF):
            acc = acc + val_v[pl.ds(f * B_PER_W + j, LANES)]
        acc_v[pl.ds(j, LANES)] = acc

    pltpu.make_async_copy(
        ta_hbm.at[pl.ds(0, (NUM_FIELDS - HALF) * B_PER_W)],
        val_v.at[pl.ds(HALF * B_PER_W, (NUM_FIELDS - HALF) * B_PER_W)],
        semb).wait()

    b = plsc.load_gather(bias_v, [jax.lax.iota(jnp.int32, 16) * 0])

    @pl.loop(0, B_PER_W, step=LANES)
    def _reduce_b(j):
        acc = acc_v[pl.ds(j, LANES)]
        for f in range(HALF, NUM_FIELDS - 1):
            acc = acc + val_v[pl.ds(f * B_PER_W + j, LANES)]
        xi = idx_v[LAST, pl.ds(j, LANES)]
        va = val_v[pl.ds(LAST * B_PER_W + j, LANES)]
        ic = jnp.maximum(xi - TAIL_OFF, 0)
        vc = plsc.load_gather(tc_v, [ic])
        acc = acc + jnp.where(xi >= CUT, vc, va)
        acc_v[pl.ds(j, LANES)] = 1.0 / (1.0 + jnp.exp(-(acc + b)))

    pltpu.sync_copy(acc_v, out_hbm.at[pl.ds(base, B_PER_W)])


@jax.jit
def kernel(x, table, bias):
    xt = x.astype(jnp.int32).T
    ta = table[:PREFIX, 0]
    tc = table[TAIL_BASE:, 0]
    mesh = plsc.VectorSubcoreMesh(core_axis_name="c", subcore_axis_name="s")
    k = pl.kernel(
        _sc_kernel,
        out_type=jax.ShapeDtypeStruct((BATCH,), jnp.float32),
        mesh=mesh,
        compiler_params=pltpu.CompilerParams(
            needs_layout_passes=False, skip_device_barrier=True),
        scratch_types=[
            pltpu.VMEM((NUM_FIELDS, B_PER_W), jnp.int32),
            pltpu.VMEM((NVAL,), jnp.float32),
            pltpu.VMEM((B_PER_W,), jnp.int32),
            pltpu.VMEM((TAIL_LEN,), jnp.float32),
            pltpu.VMEM((B_PER_W,), jnp.float32),
            pltpu.VMEM((1,), jnp.float32),
            pltpu.SemaphoreType.DMA,
            pltpu.SemaphoreType.DMA,
        ],
    )
    return k(xt, ta, tc, bias)

# --- scband reference (transcript-rebuilt; emitter-appended) ---
"""Pipeline reference for scband-lrmodel-20890720927774 (READ-ONLY COPY).

The authoritative reference and input builder live on the scoring server;
editing this copy changes nothing except your own understanding.
"""

import jax, jax.numpy as jnp
import numpy as np

FIELD_DIMS = [100000] * 26
BATCH = 16384


def setup_inputs(seed: int = 0) -> dict:
    key = jax.random.key(seed)
    k1, k2 = jax.random.split(key)
    x = jax.random.randint(k1, (BATCH, len(FIELD_DIMS)), 0, 100000, dtype=jnp.int64 if jax.config.jax_enable_x64 else jnp.int32)
    total_rows = sum(FIELD_DIMS)
    table = jax.random.normal(k2, (total_rows, 1), dtype=jnp.float32) * 0.01
    bias = jnp.zeros((1,), dtype=jnp.float32)
    return {"x": x, "table": table, "bias": bias}


def reference(x, table, bias):
    # FMLinear / FeaturesLinear: per-field offset into a single concatenated embedding table
    offsets = jnp.asarray(np.array((0, *np.cumsum(FIELD_DIMS)[:-1])), dtype=x.dtype)
    idx = x + offsets[None, :]                       # [B, F]
    emb = jnp.take(table, idx, axis=0)               # [B, F, 1] gather
    lin = jnp.sum(emb, axis=1) + bias                # [B, 1]
    return jax.nn.sigmoid(jnp.squeeze(lin, axis=1))  # [B]

if __name__ == "__main__":
    import jax
    _d = setup_inputs()
    print(jax.jit(kernel)(*tuple(_d.values())))

</pallas_src>

<mosaic_0001>
#map = affine_map<(d0, d1) -> (0, 0)>
#map1 = affine_map<(d0, d1) -> (0)>
module attributes {stable_mosaic.version = 14 : i64} {
  func.func @_sc_kernel(%arg0: i32, %arg1: i32, %arg2: memref<26x16384xi32, #tpu.memory_space<hbm>>, %arg3: memref<2599936xf32, #tpu.memory_space<hbm>>, %arg4: memref<192xf32, #tpu.memory_space<hbm>>, %arg5: memref<1xf32, #tpu.memory_space<hbm>>, %arg6: memref<16384xf32, #tpu.memory_space<hbm>>, %arg7: memref<26x512xi32, #tpu.memory_space<vmem>>, %arg8: memref<13312xf32, #tpu.memory_space<vmem>>, %arg9: memref<512xi32, #tpu.memory_space<vmem>>, %arg10: memref<192xf32, #tpu.memory_space<vmem>>, %arg11: memref<512xf32, #tpu.memory_space<vmem>>, %arg12: memref<1xf32, #tpu.memory_space<vmem>>, %arg13: memref<!tpu.dma_semaphore, #tpu.memory_space<semaphore_mem>>, %arg14: memref<!tpu.dma_semaphore, #tpu.memory_space<semaphore_mem>>) attributes {dimension_semantics = [#tpu.dimension_semantics<core_parallel>, #tpu.dimension_semantics<subcore_parallel>], iteration_bounds = array<i64: 2, 16>, scalar_prefetch = 0 : i64, scratch_operands = 8 : i64, tpu.core_type = #tpu.core_type<sc_vector_subcore>, window_params = [{transform_indices = #map}, {transform_indices = #map1}, {transform_indices = #map1}, {transform_indices = #map1}, {transform_indices = #map1}]} {
    %mul3A = arith.constant 2 : i32
    %mul3A_0 = arith.muli %arg1, %mul3A : i32
    %add3A = arith.addi %mul3A_0, %arg0 : i32
    %mul3A_1 = arith.constant 512 : i32
    %mul3A_2 = arith.muli %add3A, %mul3A_1 : i32
    %dma_start3A = arith.constant 0 : i32
    %dma_start3A_3 = tpu.memref_slice %arg2[%dma_start3A, %mul3A_2] : memref<26x16384xi32, #tpu.memory_space<hbm>> -> memref<26x512xi32, #tpu.memory_space<hbm>>
    %dma_start3A_4 = arith.constant 0 : i32
    %dma_start3A_5 = tpu.memref_slice %arg2[%dma_start3A_4, %mul3A_2] : memref<26x16384xi32, #tpu.memory_space<hbm>> -> memref<26x512xi32, #tpu.memory_space<hbm>>
    tpu.enqueue_dma source(%dma_start3A_5 : memref<26x512xi32, #tpu.memory_space<hbm>>) target(%arg7 : memref<26x512xi32, #tpu.memory_space<vmem>>) target_semaphore(%arg13 : memref<!tpu.dma_semaphore, #tpu.memory_space<semaphore_mem>>)
    "tpu.region"() ({
      %run_scoped3A = tpu.sem_alloc : memref<!tpu.dma_semaphore, #tpu.memory_space<semaphore_mem>>
      tpu.enqueue_dma source(%arg5 : memref<1xf32, #tpu.memory_space<hbm>>) target(%arg12 : memref<1xf32, #tpu.memory_space<vmem>>) target_semaphore(%run_scoped3A : memref<!tpu.dma_semaphore, #tpu.memory_space<semaphore_mem>>)
      tpu.wait_dma2 semaphore(%run_scoped3A : memref<!tpu.dma_semaphore, #tpu.memory_space<semaphore_mem>>) src(%arg5 : memref<1xf32, #tpu.memory_space<hbm>>) dst(%arg12 : memref<1xf32, #tpu.memory_space<vmem>>)
      tpu.yield
    }) : () -> ()
    "tpu.region"() ({
      %run_scoped3A = tpu.sem_alloc : memref<!tpu.dma_semaphore, #tpu.memory_space<semaphore_mem>>
      tpu.enqueue_dma source(%arg4 : memref<192xf32, #tpu.memory_space<hbm>>) target(%arg10 : memref<192xf32, #tpu.memory_space<vmem>>) target_semaphore(%run_scoped3A : memref<!tpu.dma_semaphore, #tpu.memory_space<semaphore_mem>>)
      tpu.wait_dma2 semaphore(%run_scoped3A : memref<!tpu.dma_semaphore, #tpu.memory_space<semaphore_mem>>) src(%arg4 : memref<192xf32, #tpu.memory_space<hbm>>) dst(%arg10 : memref<192xf32, #tpu.memory_space<vmem>>)
      tpu.yield
    }) : () -> ()
    %dma_wait3A = arith.constant 0 : i32
    %dma_wait3A_6 = tpu.memref_slice %arg2[%dma_wait3A, %mul3A_2] : memref<26x16384xi32, #tpu.memory_space<hbm>> -> memref<26x512xi32, #tpu.memory_space<hbm>>
    %dma_wait3A_7 = arith.constant 0 : i32
    %dma_wait3A_8 = tpu.memref_slice %arg2[%dma_wait3A_7, %mul3A_2] : memref<26x16384xi32, #tpu.memory_space<hbm>> -> memref<26x512xi32, #tpu.memory_space<hbm>>
    tpu.wait_dma2 semaphore(%arg13 : memref<!tpu.dma_semaphore, #tpu.memory_space<semaphore_mem>>) src(%dma_wait3A_8 : memref<26x512xi32, #tpu.memory_space<hbm>>) dst(%arg7 : memref<26x512xi32, #tpu.memory_space<vmem>>)
    %scan3A = arith.constant 0 : i32
    %scan3A_9 = arith.constant 13 : i32
    %scan3A_10 = arith.addi %scan3A, %scan3A_9 : i32
    %scan3A_11 = arith.constant 1 : i32
    scf.for %scan3A_180 = %scan3A to %scan3A_10 step %scan3A_11  : i32 {
      %mul3A_181 = arith.constant 1 : i32
      %mul3A_182 = arith.muli %scan3A_180, %mul3A_181 : i32
      %add3A_183 = arith.constant 0 : i32
      %add3A_184 = arith.addi %add3A_183, %mul3A_182 : i32
      %mul3A_185 = arith.constant 100000 : i32
      %mul3A_186 = arith.muli %add3A_184, %mul3A_185 : i32
      %mul3A_187 = arith.constant 512 : i32
      %mul3A_188 = arith.muli %add3A_184, %mul3A_187 : i32
      %add3A_189 = arith.constant 0 : i32
      %add3A_190 = arith.addi %mul3A_188, %add3A_189 : i32
      %dma_start3A_191 = tpu.memref_slice %arg8[%add3A_190] : memref<13312xf32, #tpu.memory_space<vmem>> -> memref<32xf32, #tpu.memory_space<vmem>>
      %dma_start3A_192 = arith.constant 0 : i32
      %dma_start3A_193 = tpu.memref_slice %arg7[%add3A_184, %dma_start3A_192] : memref<26x512xi32, #tpu.memory_space<vmem>> -> memref<1x32xi32, #tpu.memory_space<vmem>>
      %dma_start3A_194 = tpu.memref_squeeze %dma_start3A_193 : memref<1x32xi32, #tpu.memory_space<vmem>> -> memref<32xi32, #tpu.memory_space<vmem>>
      %dma_start3A_195 = tpu.memref_slice %arg3[%mul3A_186] : memref<2599936xf32, #tpu.memory_space<hbm>> -> memref<100000xf32, #tpu.memory_space<hbm>>
      %dma_start3A_196 = arith.constant 0 : i32
      %dma_start3A_197 = tpu.memref_slice %dma_start3A_195[%dma_start3A_196] : memref<100000xf32, #tpu.memory_space<hbm>> -> memref<100000xf32, #tpu.memory_space<hbm>>
      tpu.enqueue_indirect_dma source(%dma_start3A_197 : memref<100000xf32, #tpu.memory_space<hbm>>) target(%dma_start3A_191 : memref<32xf32, #tpu.memory_space<vmem>>) offsets(%dma_start3A_194 : memref<32xi32, #tpu.memory_space<vmem>>) semaphore(%arg13 : memref<!tpu.dma_semaphore, #tpu.memory_space<semaphore_mem>>)
      %mul3A_198 = arith.constant 512 : i32
      %mul3A_199 = arith.muli %add3A_184, %mul3A_198 : i32
      %add3A_200 = arith.constant 32 : i32
      %add3A_201 = arith.addi %mul3A_199, %add3A_200 : i32
      %dma_start3A_202 = tpu.memref_slice %arg8[%add3A_201] : memref<13312xf32, #tpu.memory_space<vmem>> -> memref<32xf32, #tpu.memory_space<vmem>>
      %dma_start3A_203 = arith.constant 32 : i32
      %dma_start3A_204 = tpu.memref_slice %arg7[%add3A_184, %dma_start3A_203] : memref<26x512xi32, #tpu.memory_space<vmem>> -> memref<1x32xi32, #tpu.memory_space<vmem>>
      %dma_start3A_205 = tpu.memref_squeeze %dma_start3A_204 : memref<1x32xi32, #tpu.memory_space<vmem>> -> memref<32xi32, #tpu.memory_space<vmem>>
      %dma_start3A_206 = tpu.memref_slice %arg3[%mul3A_186] : memref<2599936xf32, #tpu.memory_space<hbm>> -> memref<100000xf32, #tpu.memory_space<hbm>>
      %dma_start3A_207 = arith.constant 0 : i32
      %dma_start3A_208 = tpu.memref_slice %dma_start3A_206[%dma_start3A_207] : memref<100000xf32, #tpu.memory_space<hbm>> -> memref<100000xf32, #tpu.memory_space<hbm>>
      tpu.enqueue_indirect_dma source(%dma_start3A_208 : memref<100000xf32, #tpu.memory_space<hbm>>) target(%dma_start3A_202 : memref<32xf32, #tpu.memory_space<vmem>>) offsets(%dma_start3A_205 : memref<32xi32, #tpu.memory_space<vmem>>) semaphore(%arg13 : memref<!tpu.dma_semaphore, #tpu.memory_space<semaphore_mem>>)
      %mul3A_209 = arith.constant 512 : i32
      %mul3A_210 = arith.muli %add3A_184, %mul3A_209 : i32
      %add3A_211 = arith.constant 64 : i32
      %add3A_212 = arith.addi %mul3A_210, %add3A_211 : i32
      %dma_start3A_213 = tpu.memref_slice %arg8[%add3A_212] : memref<13312xf32, #tpu.memory_space<vmem>> -> memref<32xf32, #tpu.memory_space<vmem>>
      %dma_start3A_214 = arith.constant 64 : i32
      %dma_start3A_215 = tpu.memref_slice %arg7[%add3A_184, %dma_start3A_214] : memref<26x512xi32, #tpu.memory_space<vmem>> -> memref<1x32xi32, #tpu.memory_space<vmem>>
      %dma_start3A_216 = tpu.memref_squeeze %dma_start3A_215 : memref<1x32xi32, #tpu.memory_space<vmem>> -> memref<32xi32, #tpu.memory_space<vmem>>
      %dma_start3A_217 = tpu.memref_slice %arg3[%mul3A_186] : memref<2599936xf32, #tpu.memory_space<hbm>> -> memref<100000xf32, #tpu.memory_space<hbm>>
      %dma_start3A_218 = arith.constant 0 : i32
      %dma_start3A_219 = tpu.memref_slice %dma_start3A_217[%dma_start3A_218] : memref<100000xf32, #tpu.memory_space<hbm>> -> memref<100000xf32, #tpu.memory_space<hbm>>
      tpu.enqueue_indirect_dma source(%dma_start3A_219 : memref<100000xf32, #tpu.memory_space<hbm>>) target(%dma_start3A_213 : memref<32xf32, #tpu.memory_space<vmem>>) offsets(%dma_start3A_216 : memref<32xi32, #tpu.memory_space<vmem>>) semaphore(%arg13 : memref<!tpu.dma_semaphore, #tpu.memory_space<semaphore_mem>>)
      %mul3A_220 = arith.constant 512 : i32
      %mul3A_221 = arith.muli %add3A_184, %mul3A_220 : i32
      %add3A_222 = arith.constant 96 : i32
      %add3A_223 = arith.addi %mul3A_221, %add3A_222 : i32
      %dma_start3A_224 = tpu.memref_slice %arg8[%add3A_223] : memref<13312xf32, #tpu.memory_space<vmem>> -> memref<32xf32, #tpu.memory_space<vmem>>
      %dma_start3A_225 = arith.constant 96 : i32
      %dma_start3A_226 = tpu.memref_slice %arg7[%add3A_184, %dma_start3A_225] : memref<26x512xi32, #tpu.memory_space<vmem>> -> memref<1x32xi32, #tpu.memory_space<vmem>>
      %dma_start3A_227 = tpu.memref_squeeze %dma_start3A_226 : memref<1x32xi32, #tpu.memory_space<vmem>> -> memref<32xi32, #tpu.memory_space<vmem>>
      %dma_start3A_228 = tpu.memref_slice %arg3[%mul3A_186] : memref<2599936xf32, #tpu.memory_space<hbm>> -> memref<100000xf32, #tpu.memory_space<hbm>>
      %dma_start3A_229 = arith.constant 0 : i32
      %dma_start3A_230 = tpu.memref_slice %dma_start3A_228[%dma_start3A_229] : memref<100000xf32, #tpu.memory_space<hbm>> -> memref<100000xf32, #tpu.memory_space<hbm>>
      tpu.enqueue_indirect_dma source(%dma_start3A_230 : memref<100000xf32, #tpu.memory_space<hbm>>) target(%dma_start3A_224 : memref<32xf32, #tpu.memory_space<vmem>>) offsets(%dma_start3A_227 : memref<32xi32, #tpu.memory_space<vmem>>) semaphore(%arg13 : memref<!tpu.dma_semaphore, #tpu.memory_space<semaphore_mem>>)
      %mul3A_231 = arith.constant 512 : i32
      %mul3A_232 = arith.muli %add3A_184, %mul3A_231 : i32
      %add3A_233 = arith.constant 128 : i32
      %add3A_234 = arith.addi %mul3A_232, %add3A_233 : i32
      %dma_start3A_235 = tpu.memref_slice %arg8[%add3A_234] : memref<13312xf32, #tpu.memory_space<vmem>> -> memref<32xf32, #tpu.memory_space<vmem>>
      %dma_start3A_236 = arith.constant 128 : i32
      %dma_start3A_237 = tpu.memref_slice %arg7[%add3A_184, %dma_start3A_236] : memref<26x512xi32, #tpu.memory_space<vmem>> -> memref<1x32xi32, #tpu.memory_space<vmem>>
      %dma_start3A_238 = tpu.memref_squeeze %dma_start3A_237 : memref<1x32xi32, #tpu.memory_space<vmem>> -> memref<32xi32, #tpu.memory_space<vmem>>
      %dma_start3A_239 = tpu.memref_slice %arg3[%mul3A_186] : memref<2599936xf32, #tpu.memory_space<hbm>> -> memref<100000xf32, #tpu.memory_space<hbm>>
      %dma_start3A_240 = arith.constant 0 : i32
      %dma_start3A_241 = tpu.memref_slice %dma_start3A_239[%dma_start3A_240] : memref<100000xf32, #tpu.memory_space<hbm>> -> memref<100000xf32, #tpu.memory_space<hbm>>
      tpu.enqueue_indirect_dma source(%dma_start3A_241 : memref<100000xf32, #tpu.memory_space<hbm>>) target(%dma_start3A_235 : memref<32xf32, #tpu.memory_space<vmem>>) offsets(%dma_start3A_238 : memref<32xi32, #tpu.memory_space<vmem>>) semaphore(%arg13 : memref<!tpu.dma_semaphore, #tpu.memory_space<semaphore_mem>>)
      %mul3A_242 = arith.constant 512 : i32
      %mul3A_243 = arith.muli %add3A_184, %mul3A_242 : i32
      %add3A_244 = arith.constant 160 : i32
      %add3A_245 = arith.addi %mul3A_243, %add3A_244 : i32
      %dma_start3A_246 = tpu.memref_slice %arg8[%add3A_245] : memref<13312xf32, #tpu.memory_space<vmem>> -> memref<32xf32, #tpu.memory_space<vmem>>
      %dma_start3A_247 = arith.constant 160 : i32
      %dma_start3A_248 = tpu.memref_slice %arg7[%add3A_184, %dma_start3A_247] : memref<26x512xi32, #tpu.memory_space<vmem>> -> memref<1x32xi32, #tpu.memory_space<vmem>>
      %dma_start3A_249 = tpu.memref_squeeze %dma_start3A_248 : memref<1x32xi32, #tpu.memory_space<vmem>> -> memref<32xi32, #tpu.memory_space<vmem>>
      %dma_start3A_250 = tpu.memref_slice %arg3[%mul3A_186] : memref<2599936xf32, #tpu.memory_space<hbm>> -> memref<100000xf32, #tpu.memory_space<hbm>>
      %dma_start3A_251 = arith.constant 0 : i32
      %dma_start3A_252 = tpu.memref_slice %dma_start3A_250[%dma_start3A_251] : memref<100000xf32, #tpu.memory_space<hbm>> -> memref<100000xf32, #tpu.memory_space<hbm>>
      tpu.enqueue_indirect_dma source(%dma_start3A_252 : memref<100000xf32, #tpu.memory_space<hbm>>) target(%dma_start3A_246 : memref<32xf32, #tpu.memory_space<vmem>>) offsets(%dma_start3A_249 : memref<32xi32, #tpu.memory_space<vmem>>) semaphore(%arg13 : memref<!tpu.dma_semaphore, #tpu.memory_space<semaphore_mem>>)
      %mul3A_253 = arith.constant 512 : i32
      %mul3A_254 = arith.muli %add3A_184, %mul3A_253 : i32
      %add3A_255 = arith.constant 192 : i32
      %add3A_256 = arith.addi %mul3A_254, %add3A_255 : i32
      %dma_start3A_257 = tpu.memref_slice %arg8[%add3A_256] : memref<13312xf32, #tpu.memory_space<vmem>> -> memref<32xf32, #tpu.memory_space<vmem>>
      %dma_start3A_258 = arith.constant 192 : i32
      %dma_start3A_259 = tpu.memref_slice %arg7[%add3A_184, %dma_start3A_258] : memref<26x512xi32, #tpu.memory_space<vmem>> -> memref<1x32xi32, #tpu.memory_space<vmem>>
      %dma_start3A_260 = tpu.memref_squeeze %dma_start3A_259 : memref<1x32xi32, #tpu.memory_space<vmem>> -> memref<32xi32, #tpu.memory_space<vmem>>
      %dma_start3A_261 = tpu.memref_slice %arg3[%mul3A_186] : memref<2599936xf32, #tpu.memory_space<hbm>> -> memref<100000xf32, #tpu.memory_space<hbm>>
      %dma_start3A_262 = arith.constant 0 : i32
      %dma_start3A_263 = tpu.memref_slice %dma_start3A_261[%dma_start3A_262] : memref<100000xf32, #tpu.memory_space<hbm>> -> memref<100000xf32, #tpu.memory_space<hbm>>
      tpu.enqueue_indirect_dma source(%dma_start3A_263 : memref<100000xf32, #tpu.memory_space<hbm>>) target(%dma_start3A_257 : memref<32xf32, #tpu.memory_space<vmem>>) offsets(%dma_start3A_260 : memref<32xi32, #tpu.memory_space<vmem>>) semaphore(%arg13 : memref<!tpu.dma_semaphore, #tpu.memory_space<semaphore_mem>>)
      %mul3A_264 = arith.constant 512 : i32
      %mul3A_265 = arith.muli %add3A_184, %mul3A_264 : i32
      %add3A_266 = arith.constant 224 : i32
      %add3A_267 = arith.addi %mul3A_265, %add3A_266 : i32
      %dma_start3A_268 = tpu.memref_slice %arg8[%add3A_267] : memref<13312xf32, #tpu.memory_space<vmem>> -> memref<32xf32, #tpu.memory_space<vmem>>
      %dma_start3A_269 = arith.constant 224 : i32
      %dma_start3A_270 = tpu.memref_slice %arg7[%add3A_184, %dma_start3A_269] : memref<26x512xi32, #tpu.memory_space<vmem>> -> memref<1x32xi32, #tpu.memory_space<vmem>>
      %dma_start3A_271 = tpu.memref_squeeze %dma_start3A_270 : memref<1x32xi32, #tpu.memory_space<vmem>> -> memref<32xi32, #tpu.memory_space<vmem>>
      %dma_start3A_272 = tpu.memref_slice %arg3[%mul3A_186] : memref<2599936xf32, #tpu.memory_space<hbm>> -> memref<100000xf32, #tpu.memory_space<hbm>>
      %dma_start3A_273 = arith.constant 0 : i32
      %dma_start3A_274 = tpu.memref_slice %dma_start3A_272[%dma_start3A_273] : memref<100000xf32, #tpu.memory_space<hbm>> -> memref<100000xf32, #tpu.memory_space<hbm>>
      tpu.enqueue_indirect_dma source(%dma_start3A_274 : memref<100000xf32, #tpu.memory_space<hbm>>) target(%dma_start3A_268 : memref<32xf32, #tpu.memory_space<vmem>>) offsets(%dma_start3A_271 : memref<32xi32, #tpu.memory_space<vmem>>) semaphore(%arg13 : memref<!tpu.dma_semaphore, #tpu.memory_space<semaphore_mem>>)
      %mul3A_275 = arith.constant 512 : i32
      %mul3A_276 = arith.muli %add3A_184, %mul3A_275 : i32
      %add3A_277 = arith.constant 256 : i32
      %add3A_278 = arith.addi %mul3A_276, %add3A_277 : i32
      %dma_start3A_279 = tpu.memref_slice %arg8[%add3A_278] : memref<13312xf32, #tpu.memory_space<vmem>> -> memref<32xf32, #tpu.memory_space<vmem>>
      %dma_start3A_280 = arith.constant 256 : i32
      %dma_start3A_281 = tpu.memref_slice %arg7[%add3A_184, %dma_start3A_280] : memref<26x512xi32, #tpu.memory_space<vmem>> -> memref<1x32xi32, #tpu.memory_space<vmem>>
      %dma_start3A_282 = tpu.memref_squeeze %dma_start3A_281 : memref<1x32xi32, #tpu.memory_space<vmem>> -> memref<32xi32, #tpu.memory_space<vmem>>
      %dma_start3A_283 = tpu.memref_slice %arg3[%mul3A_186] : memref<2599936xf32, #tpu.memory_space<hbm>> -> memref<100000xf32, #tpu.memory_space<hbm>>
      %dma_start3A_284 = arith.constant 0 : i32
      %dma_start3A_285 = tpu.memref_slice %dma_start3A_283[%dma_start3A_284] : memref<100000xf32, #tpu.memory_space<hbm>> -> memref<100000xf32, #tpu.memory_space<hbm>>
      tpu.enqueue_indirect_dma source(%dma_start3A_285 : memref<100000xf32, #tpu.memory_space<hbm>>) target(%dma_start3A_279 : memref<32xf32, #tpu.memory_space<vmem>>) offsets(%dma_start3A_282 : memref<32xi32, #tpu.memory_space<vmem>>) semaphore(%arg13 : memref<!tpu.dma_semaphore, #tpu.memory_space<semaphore_mem>>)
      %mul3A_286 = arith.constant 512 : i32
      %mul3A_287 = arith.muli %add3A_184, %mul3A_286 : i32
      %add3A_288 = arith.constant 288 : i32
      %add3A_289 = arith.addi %mul3A_287, %add3A_288 : i32
      %dma_start3A_290 = tpu.memref_slice %arg8[%add3A_289] : memref<13312xf32, #tpu.memory_space<vmem>> -> memref<32xf32, #tpu.memory_space<vmem>>
      %dma_start3A_291 = arith.constant 288 : i32
      %dma_start3A_292 = tpu.memref_slice %arg7[%add3A_184, %dma_start3A_291] : memref<26x512xi32, #tpu.memory_space<vmem>> -> memref<1x32xi32, #tpu.memory_space<vmem>>
      %dma_start3A_293 = tpu.memref_squeeze %dma_start3A_292 : memref<1x32xi32, #tpu.memory_space<vmem>> -> memref<32xi32, #tpu.memory_space<vmem>>
      %dma_start3A_294 = tpu.memref_slice %arg3[%mul3A_186] : memref<2599936xf32, #tpu.memory_space<hbm>> -> memref<100000xf32, #tpu.memory_space<hbm>>
      %dma_start3A_295 = arith.constant 0 : i32
      %dma_start3A_296 = tpu.memref_slice %dma_start3A_294[%dma_start3A_295] : memref<100000xf32, #tpu.memory_space<hbm>> -> memref<100000xf32, #tpu.memory_space<hbm>>
      tpu.enqueue_indirect_dma source(%dma_start3A_296 : memref<100000xf32, #tpu.memory_space<hbm>>) target(%dma_start3A_290 : memref<32xf32, #tpu.memory_space<vmem>>) offsets(%dma_start3A_293 : memref<32xi32, #tpu.memory_space<vmem>>) semaphore(%arg13 : memref<!tpu.dma_semaphore, #tpu.memory_space<semaphore_mem>>)
      %mul3A_297 = arith.constant 512 : i32
      %mul3A_298 = arith.muli %add3A_184, %mul3A_297 : i32
      %add3A_299 = arith.constant 320 : i32
      %add3A_300 = arith.addi %mul3A_298, %add3A_299 : i32
      %dma_start3A_301 = tpu.memref_slice %arg8[%add3A_300] : memref<13312xf32, #tpu.memory_space<vmem>> -> memref<32xf32, #tpu.memory_space<vmem>>
      %dma_start3A_302 = arith.constant 320 : i32
      %dma_start3A_303 = tpu.memref_slice %arg7[%add3A_184, %dma_start3A_302] : memref<26x512xi32, #tpu.memory_space<vmem>> -> memref<1x32xi32, #tpu.memory_space<vmem>>
      %dma_start3A_304 = tpu.memref_squeeze %dma_start3A_303 : memref<1x32xi32, #tpu.memory_space<vmem>> -> memref<32xi32, #tpu.memory_space<vmem>>
      %dma_start3A_305 = tpu.memref_slice %arg3[%mul3A_186] : memref<2599936xf32, #tpu.memory_space<hbm>> -> memref<100000xf32, #tpu.memory_space<hbm>>
      %dma_start3A_306 = arith.constant 0 : i32
      %dma_start3A_307 = tpu.memref_slice %dma_start3A_305[%dma_start3A_306] : memref<100000xf32, #tpu.memory_space<hbm>> -> memref<100000xf32, #tpu.memory_space<hbm>>
      tpu.enqueue_indirect_dma source(%dma_start3A_307 : memref<100000xf32, #tpu.memory_space<hbm>>) target(%dma_start3A_301 : memref<32xf32, #tpu.memory_space<vmem>>) offsets(%dma_start3A_304 : memref<32xi32, #tpu.memory_space<vmem>>) semaphore(%arg13 : memref<!tpu.dma_semaphore, #tpu.memory_space<semaphore_mem>>)
      %mul3A_308 = arith.constant 512 : i32
      %mul3A_309 = arith.muli %add3A_184, %mul3A_308 : i32
      %add3A_310 = arith.constant 352 : i32
      %add3A_311 = arith.addi %mul3A_309, %add3A_310 : i32
      %dma_start3A_312 = tpu.memref_slice %arg8[%add3A_311] : memref<13312xf32, #tpu.memory_space<vmem>> -> memref<32xf32, #tpu.memory_space<vmem>>
      %dma_start3A_313 = arith.constant 352 : i32
      %dma_start3A_314 = tpu.memref_slice %arg7[%add3A_184, %dma_start3A_313] : memref<26x512xi32, #tpu.memory_space<vmem>> -> memref<1x32xi32, #tpu.memory_space<vmem>>
      %dma_start3A_315 = tpu.memref_squeeze %dma_start3A_314 : memref<1x32xi32, #tpu.memory_space<vmem>> -> memref<32xi32, #tpu.memory_space<vmem>>
      %dma_start3A_316 = tpu.memref_slice %arg3[%mul3A_186] : memref<2599936xf32, #tpu.memory_space<hbm>> -> memref<100000xf32, #tpu.memory_space<hbm>>
      %dma_start3A_317 = arith.constant 0 : i32
      %dma_start3A_318 = tpu.memref_slice %dma_start3A_316[%dma_start3A_317] : memref<100000xf32, #tpu.memory_space<hbm>> -> memref<100000xf32, #tpu.memory_space<hbm>>
      tpu.enqueue_indirect_dma source(%dma_start3A_318 : memref<100000xf32, #tpu.memory_space<hbm>>) target(%dma_start3A_312 : memref<32xf32, #tpu.memory_space<vmem>>) offsets(%dma_start3A_315 : memref<32xi32, #tpu.memory_space<vmem>>) semaphore(%arg13 : memref<!tpu.dma_semaphore, #tpu.memory_space<semaphore_mem>>)
      %mul3A_319 = arith.constant 512 : i32
      %mul3A_320 = arith.muli %add3A_184, %mul3A_319 : i32
      %add3A_321 = arith.constant 384 : i32
      %add3A_322 = arith.addi %mul3A_320, %add3A_321 : i32
      %dma_start3A_323 = tpu.memref_slice %arg8[%add3A_322] : memref<13312xf32, #tpu.memory_space<vmem>> -> memref<32xf32, #tpu.memory_space<vmem>>
      %dma_start3A_324 = arith.constant 384 : i32
      %dma_start3A_325 = tpu.memref_slice %arg7[%add3A_184, %dma_start3A_324] : memref<26x512xi32, #tpu.memory_space<vmem>> -> memref<1x32xi32, #tpu.memory_space<vmem>>
      %dma_start3A_326 = tpu.memref_squeeze %dma_start3A_325 : memref<1x32xi32, #tpu.memory_space<vmem>> -> memref<32xi32, #tpu.memory_space<vmem>>
      %dma_start3A_327 = tpu.memref_slice %arg3[%mul3A_186] : memref<2599936xf32, #tpu.memory_space<hbm>> -> memref<100000xf32, #tpu.memory_space<hbm>>
      %dma_start3A_328 = arith.constant 0 : i32
      %dma_start3A_329 = tpu.memref_slice %dma_start3A_327[%dma_start3A_328] : memref<100000xf32, #tpu.memory_space<hbm>> -> memref<100000xf32, #tpu.memory_space<hbm>>
      tpu.enqueue_indirect_dma source(%dma_start3A_329 : memref<100000xf32, #tpu.memory_space<hbm>>) target(%dma_start3A_323 : memref<32xf32, #tpu.memory_space<vmem>>) offsets(%dma_start3A_326 : memref<32xi32, #tpu.memory_space<vmem>>) semaphore(%arg13 : memref<!tpu.dma_semaphore, #tpu.memory_space<semaphore_mem>>)
      %mul3A_330 = arith.constant 512 : i32
      %mul3A_331 = arith.muli %add3A_184, %mul3A_330 : i32
      %add3A_332 = arith.constant 416 : i32
      %add3A_333 = arith.addi %mul3A_331, %add3A_332 : i32
      %dma_start3A_334 = tpu.memref_slice %arg8[%add3A_333] : memref<13312xf32, #tpu.memory_space<vmem>> -> memref<32xf32, #tpu.memory_space<vmem>>
      %dma_start3A_335 = arith.constant 416 : i32
      %dma_start3A_336 = tpu.memref_slice %arg7[%add3A_184, %dma_start3A_335] : memref<26x512xi32, #tpu.memory_space<vmem>> -> memref<1x32xi32, #tpu.memory_space<vmem>>
      %dma_start3A_337 = tpu.memref_squeeze %dma_start3A_336 : memref<1x32xi32, #tpu.memory_space<vmem>> -> memref<32xi32, #tpu.memory_space<vmem>>
      %dma_start3A_338 = tpu.memref_slice %arg3[%mul3A_186] : memref<2599936xf32, #tpu.memory_space<hbm>> -> memref<100000xf32, #tpu.memory_space<hbm>>
      %dma_start3A_339 = arith.constant 0 : i32
      %dma_start3A_340 = tpu.memref_slice %dma_start3A_338[%dma_start3A_339] : memref<100000xf32, #tpu.memory_space<hbm>> -> memref<100000xf32, #tpu.memory_space<hbm>>
      tpu.enqueue_indirect_dma source(%dma_start3A_340 : memref<100000xf32, #tpu.memory_space<hbm>>) target(%dma_start3A_334 : memref<32xf32, #tpu.memory_space<vmem>>) offsets(%dma_start3A_337 : memref<32xi32, #tpu.memory_space<vmem>>) semaphore(%arg13 : memref<!tpu.dma_semaphore, #tpu.memory_space<semaphore_mem>>)
      %mul3A_341 = arith.constant 512 : i32
      %mul3A_342 = arith.muli %add3A_184, %mul3A_341 : i32
      %add3A_343 = arith.constant 448 : i32
      %add3A_344 = arith.addi %mul3A_342, %add3A_343 : i32
      %dma_start3A_345 = tpu.memref_slice %arg8[%add3A_344] : memref<13312xf32, #tpu.memory_space<vmem>> -> memref<32xf32, #tpu.memory_space<vmem>>
      %dma_start3A_346 = arith.constant 448 : i32
      %dma_start3A_347 = tpu.memref_slice %arg7[%add3A_184, %dma_start3A_346] : memref<26x512xi32, #tpu.memory_space<vmem>> -> memref<1x32xi32, #tpu.memory_space<vmem>>
      %dma_start3A_348 = tpu.memref_squeeze %dma_start3A_347 : memref<1x32xi32, #tpu.memory_space<vmem>> -> memref<32xi32, #tpu.memory_space<vmem>>
      %dma_start3A_349 = tpu.memref_slice %arg3[%mul3A_186] : memref<2599936xf32, #tpu.memory_space<hbm>> -> memref<100000xf32, #tpu.memory_space<hbm>>
      %dma_start3A_350 = arith.constant 0 : i32
      %dma_start3A_351 = tpu.memref_slice %dma_start3A_349[%dma_start3A_350] : memref<100000xf32, #tpu.memory_space<hbm>> -> memref<100000xf32, #tpu.memory_space<hbm>>
      tpu.enqueue_indirect_dma source(%dma_start3A_351 : memref<100000xf32, #tpu.memory_space<hbm>>) target(%dma_start3A_345 : memref<32xf32, #tpu.memory_space<vmem>>) offsets(%dma_start3A_348 : memref<32xi32, #tpu.memory_space<vmem>>) semaphore(%arg13 : memref<!tpu.dma_semaphore, #tpu.memory_space<semaphore_mem>>)
      %mul3A_352 = arith.constant 512 : i32
      %mul3A_353 = arith.muli %add3A_184, %mul3A_352 : i32
      %add3A_354 = arith.constant 480 : i32
      %add3A_355 = arith.addi %mul3A_353, %add3A_354 : i32
      %dma_start3A_356 = tpu.memref_slice %arg8[%add3A_355] : memref<13312xf32, #tpu.memory_space<vmem>> -> memref<32xf32, #tpu.memory_space<vmem>>
      %dma_start3A_357 = arith.constant 480 : i32
      %dma_start3A_358 = tpu.memref_slice %arg7[%add3A_184, %dma_start3A_357] : memref<26x512xi32, #tpu.memory_space<vmem>> -> memref<1x32xi32, #tpu.memory_space<vmem>>
      %dma_start3A_359 = tpu.memref_squeeze %dma_start3A_358 : memref<1x32xi32, #tpu.memory_space<vmem>> -> memref<32xi32, #tpu.memory_space<vmem>>
      %dma_start3A_360 = tpu.memref_slice %arg3[%mul3A_186] : memref<2599936xf32, #tpu.memory_space<hbm>> -> memref<100000xf32, #tpu.memory_space<hbm>>
      %dma_start3A_361 = arith.constant 0 : i32
      %dma_start3A_362 = tpu.memref_slice %dma_start3A_360[%dma_start3A_361] : memref<100000xf32, #tpu.memory_space<hbm>> -> memref<100000xf32, #tpu.memory_space<hbm>>
      tpu.enqueue_indirect_dma source(%dma_start3A_362 : memref<100000xf32, #tpu.memory_space<hbm>>) target(%dma_start3A_356 : memref<32xf32, #tpu.memory_space<vmem>>) offsets(%dma_start3A_359 : memref<32xi32, #tpu.memory_space<vmem>>) semaphore(%arg13 : memref<!tpu.dma_semaphore, #tpu.memory_space<semaphore_mem>>)
    }
    %scan3A_12 = arith.constant 13 : i32
    %scan3A_13 = arith.constant 0 : i32
    %scan3A_14 = arith.constant 12 : i32
    %scan3A_15 = arith.addi %scan3A_13, %scan3A_14 : i32
    %scan3A_16 = arith.constant 1 : i32
    scf.for %scan3A_180 = %scan3A_13 to %scan3A_15 step %scan3A_16  : i32 {
      %mul3A_181 = arith.constant 1 : i32
      %mul3A_182 = arith.muli %scan3A_180, %mul3A_181 : i32
      %add3A_183 = arith.constant 13 : i32
      %add3A_184 = arith.addi %add3A_183, %mul3A_182 : i32
      %mul3A_185 = arith.constant 100000 : i32
      %mul3A_186 = arith.muli %add3A_184, %mul3A_185 : i32
      %mul3A_187 = arith.constant 512 : i32
      %mul3A_188 = arith.muli %add3A_184, %mul3A_187 : i32
      %add3A_189 = arith.constant 0 : i32
      %add3A_190 = arith.addi %mul3A_188, %add3A_189 : i32
      %dma_start3A_191 = tpu.memref_slice %arg8[%add3A_190] : memref<13312xf32, #tpu.memory_space<vmem>> -> memref<32xf32, #tpu.memory_space<vmem>>
      %dma_start3A_192 = arith.constant 0 : i32
      %dma_start3A_193 = tpu.memref_slice %arg7[%add3A_184, %dma_start3A_192] : memref<26x512xi32, #tpu.memory_space<vmem>> -> memref<1x32xi32, #tpu.memory_space<vmem>>
      %dma_start3A_194 = tpu.memref_squeeze %dma_start3A_193 : memref<1x32xi32, #tpu.memory_space<vmem>> -> memref<32xi32, #tpu.memory_space<vmem>>
      %dma_start3A_195 = tpu.memref_slice %arg3[%mul3A_186] : memref<2599936xf32, #tpu.memory_space<hbm>> -> memref<100000xf32, #tpu.memory_space<hbm>>
      %dma_start3A_196 = arith.constant 0 : i32
      %dma_start3A_197 = tpu.memref_slice %dma_start3A_195[%dma_start3A_196] : memref<100000xf32, #tpu.memory_space<hbm>> -> memref<100000xf32, #tpu.memory_space<hbm>>
      tpu.enqueue_indirect_dma source(%dma_start3A_197 : memref<100000xf32, #tpu.memory_space<hbm>>) target(%dma_start3A_191 : memref<32xf32, #tpu.memory_space<vmem>>) offsets(%dma_start3A_194 : memref<32xi32, #tpu.memory_space<vmem>>) semaphore(%arg14 : memref<!tpu.dma_semaphore, #tpu.memory_space<semaphore_mem>>)
      %mul3A_198 = arith.constant 512 : i32
      %mul3A_199 = arith.muli %add3A_184, %mul3A_198 : i32
      %add3A_200 = arith.constant 32 : i32
      %add3A_201 = arith.addi %mul3A_199, %add3A_200 : i32
      %dma_start3A_202 = tpu.memref_slice %arg8[%add3A_201] : memref<13312xf32, #tpu.memory_space<vmem>> -> memref<32xf32, #tpu.memory_space<vmem>>
      %dma_start3A_203 = arith.constant 32 : i32
      %dma_start3A_204 = tpu.memref_slice %arg7[%add3A_184, %dma_start3A_203] : memref<26x512xi32, #tpu.memory_space<vmem>> -> memref<1x32xi32, #tpu.memory_space<vmem>>
      %dma_start3A_205 = tpu.memref_squeeze %dma_start3A_204 : memref<1x32xi32, #tpu.memory_space<vmem>> -> memref<32xi32, #tpu.memory_space<vmem>>
      %dma_start3A_206 = tpu.memref_slice %arg3[%mul3A_186] : memref<2599936xf32, #tpu.memory_space<hbm>> -> memref<100000xf32, #tpu.memory_space<hbm>>
      %dma_start3A_207 = arith.constant 0 : i32
      %dma_start3A_208 = tpu.memref_slice %dma_start3A_206[%dma_start3A_207] : memref<100000xf32, #tpu.memory_space<hbm>> -> memref<100000xf32, #tpu.memory_space<hbm>>
      tpu.enqueue_indirect_dma source(%dma_start3A_208 : memref<100000xf32, #tpu.memory_space<hbm>>) target(%dma_start3A_202 : memref<32xf32, #tpu.memory_space<vmem>>) offsets(%dma_start3A_205 : memref<32xi32, #tpu.memory_space<vmem>>) semaphore(%arg14 : memref<!tpu.dma_semaphore, #tpu.memory_space<semaphore_mem>>)
      %mul3A_209 = arith.constant 512 : i32
      %mul3A_210 = arith.muli %add3A_184, %mul3A_209 : i32
      %add3A_211 = arith.constant 64 : i32
      %add3A_212 = arith.addi %mul3A_210, %add3A_211 : i32
      %dma_start3A_213 = tpu.memref_slice %arg8[%add3A_212] : memref<13312xf32, #tpu.memory_space<vmem>> -> memref<32xf32, #tpu.memory_space<vmem>>
      %dma_start3A_214 = arith.constant 64 : i32
      %dma_start3A_215 = tpu.memref_slice %arg7[%add3A_184, %dma_start3A_214] : memref<26x512xi32, #tpu.memory_space<vmem>> -> memref<1x32xi32, #tpu.memory_space<vmem>>
      %dma_start3A_216 = tpu.memref_squeeze %dma_start3A_215 : memref<1x32xi32, #tpu.memory_space<vmem>> -> memref<32xi32, #tpu.memory_space<vmem>>
      %dma_start3A_217 = tpu.memref_slice %arg3[%mul3A_186] : memref<2599936xf32, #tpu.memory_space<hbm>> -> memref<100000xf32, #tpu.memory_space<hbm>>
      %dma_start3A_218 = arith.constant 0 : i32
      %dma_start3A_219 = tpu.memref_slice %dma_start3A_217[%dma_start3A_218] : memref<100000xf32, #tpu.memory_space<hbm>> -> memref<100000xf32, #tpu.memory_space<hbm>>
      tpu.enqueue_indirect_dma source(%dma_start3A_219 : memref<100000xf32, #tpu.memory_space<hbm>>) target(%dma_start3A_213 : memref<32xf32, #tpu.memory_space<vmem>>) offsets(%dma_start3A_216 : memref<32xi32, #tpu.memory_space<vmem>>) semaphore(%arg14 : memref<!tpu.dma_semaphore, #tpu.memory_space<semaphore_mem>>)
      %mul3A_220 = arith.constant 512 : i32
      %mul3A_221 = arith.muli %add3A_184, %mul3A_220 : i32
      %add3A_222 = arith.constant 96 : i32
      %add3A_223 = arith.addi %mul3A_221, %add3A_222 : i32
      %dma_start3A_224 = tpu.memref_slice %arg8[%add3A_223] : memref<13312xf32, #tpu.memory_space<vmem>> -> memref<32xf32, #tpu.memory_space<vmem>>
      %dma_start3A_225 = arith.constant 96 : i32
      %dma_start3A_226 = tpu.memref_slice %arg7[%add3A_184, %dma_start3A_225] : memref<26x512xi32, #tpu.memory_space<vmem>> -> memref<1x32xi32, #tpu.memory_space<vmem>>
      %dma_start3A_227 = tpu.memref_squeeze %dma_start3A_226 : memref<1x32xi32, #tpu.memory_space<vmem>> -> memref<32xi32, #tpu.memory_space<vmem>>
      %dma_start3A_228 = tpu.memref_slice %arg3[%mul3A_186] : memref<2599936xf32, #tpu.memory_space<hbm>> -> memref<100000xf32, #tpu.memory_space<hbm>>
      %dma_start3A_229 = arith.constant 0 : i32
      %dma_start3A_230 = tpu.memref_slice %dma_start3A_228[%dma_start3A_229] : memref<100000xf32, #tpu.memory_space<hbm>> -> memref<100000xf32, #tpu.memory_space<hbm>>
      tpu.enqueue_indirect_dma source(%dma_start3A_230 : memref<100000xf32, #tpu.memory_space<hbm>>) target(%dma_start3A_224 : memref<32xf32, #tpu.memory_space<vmem>>) offsets(%dma_start3A_227 : memref<32xi32, #tpu.memory_space<vmem>>) semaphore(%arg14 : memref<!tpu.dma_semaphore, #tpu.memory_space<semaphore_mem>>)
      %mul3A_231 = arith.constant 512 : i32
      %mul3A_232 = arith.muli %add3A_184, %mul3A_231 : i32
      %add3A_233 = arith.constant 128 : i32
      %add3A_234 = arith.addi %mul3A_232, %add3A_233 : i32
      %dma_start3A_235 = tpu.memref_slice %arg8[%add3A_234] : memref<13312xf32, #tpu.memory_space<vmem>> -> memref<32xf32, #tpu.memory_space<vmem>>
      %dma_start3A_236 = arith.constant 128 : i32
      %dma_start3A_237 = tpu.memref_slice %arg7[%add3A_184, %dma_start3A_236] : memref<26x512xi32, #tpu.memory_space<vmem>> -> memref<1x32xi32, #tpu.memory_space<vmem>>
      %dma_start3A_238 = tpu.memref_squeeze %dma_start3A_237 : memref<1x32xi32, #tpu.memory_space<vmem>> -> memref<32xi32, #tpu.memory_space<vmem>>
      %dma_start3A_239 = tpu.memref_slice %arg3[%mul3A_186] : memref<2599936xf32, #tpu.memory_space<hbm>> -> memref<100000xf32, #tpu.memory_space<hbm>>
      %dma_start3A_240 = arith.constant 0 : i32
      %dma_start3A_241 = tpu.memref_slice %dma_start3A_239[%dma_start3A_240] : memref<100000xf32, #tpu.memory_space<hbm>> -> memref<100000xf32, #tpu.memory_space<hbm>>
      tpu.enqueue_indirect_dma source(%dma_start3A_241 : memref<100000xf32, #tpu.memory_space<hbm>>) target(%dma_start3A_235 : memref<32xf32, #tpu.memory_space<vmem>>) offsets(%dma_start3A_238 : memref<32xi32, #tpu.memory_space<vmem>>) semaphore(%arg14 : memref<!tpu.dma_semaphore, #tpu.memory_space<semaphore_mem>>)
      %mul3A_242 = arith.constant 512 : i32
      %mul3A_243 = arith.muli %add3A_184, %mul3A_242 : i32
      %add3A_244 = arith.constant 160 : i32
      %add3A_245 = arith.addi %mul3A_243, %add3A_244 : i32
      %dma_start3A_246 = tpu.memref_slice %arg8[%add3A_245] : memref<13312xf32, #tpu.memory_space<vmem>> -> memref<32xf32, #tpu.memory_space<vmem>>
      %dma_start3A_247 = arith.constant 160 : i32
      %dma_start3A_248 = tpu.memref_slice %arg7[%add3A_184, %dma_start3A_247] : memref<26x512xi32, #tpu.memory_space<vmem>> -> memref<1x32xi32, #tpu.memory_space<vmem>>
      %dma_start3A_249 = tpu.memref_squeeze %dma_start3A_248 : memref<1x32xi32, #tpu.memory_space<vmem>> -> memref<32xi32, #tpu.memory_space<vmem>>
      %dma_start3A_250 = tpu.memref_slice %arg3[%mul3A_186] : memref<2599936xf32, #tpu.memory_space<hbm>> -> memref<100000xf32, #tpu.memory_space<hbm>>
      %dma_start3A_251 = arith.constant 0 : i32
      %dma_start3A_252 = tpu.memref_slice %dma_start3A_250[%dma_start3A_251] : memref<100000xf32, #tpu.memory_space<hbm>> -> memref<100000xf32, #tpu.memory_space<hbm>>
      tpu.enqueue_indirect_dma source(%dma_start3A_252 : memref<100000xf32, #tpu.memory_space<hbm>>) target(%dma_start3A_246 : memref<32xf32, #tpu.memory_space<vmem>>) offsets(%dma_start3A_249 : memref<32xi32, #tpu.memory_space<vmem>>) semaphore(%arg14 : memref<!tpu.dma_semaphore, #tpu.memory_space<semaphore_mem>>)
      %mul3A_253 = arith.constant 512 : i32
      %mul3A_254 = arith.muli %add3A_184, %mul3A_253 : i32
      %add3A_255 = arith.constant 192 : i32
      %add3A_256 = arith.addi %mul3A_254, %add3A_255 : i32
      %dma_start3A_257 = tpu.memref_slice %arg8[%add3A_256] : memref<13312xf32, #tpu.memory_space<vmem>> -> memref<32xf32, #tpu.memory_space<vmem>>
      %dma_start3A_258 = arith.constant 192 : i32
      %dma_start3A_259 = tpu.memref_slice %arg7[%add3A_184, %dma_start3A_258] : memref<26x512xi32, #tpu.memory_space<vmem>> -> memref<1x32xi32, #tpu.memory_space<vmem>>
      %dma_start3A_260 = tpu.memref_squeeze %dma_start3A_259 : memref<1x32xi32, #tpu.memory_space<vmem>> -> memref<32xi32, #tpu.memory_space<vmem>>
      %dma_start3A_261 = tpu.memref_slice %arg3[%mul3A_186] : memref<2599936xf32, #tpu.memory_space<hbm>> -> memref<100000xf32, #tpu.memory_space<hbm>>
      %dma_start3A_262 = arith.constant 0 : i32
      %dma_start3A_263 = tpu.memref_slice %dma_start3A_261[%dma_start3A_262] : memref<100000xf32, #tpu.memory_space<hbm>> -> memref<100000xf32, #tpu.memory_space<hbm>>
      tpu.enqueue_indirect_dma source(%dma_start3A_263 : memref<100000xf32, #tpu.memory_space<hbm>>) target(%dma_start3A_257 : memref<32xf32, #tpu.memory_space<vmem>>) offsets(%dma_start3A_260 : memref<32xi32, #tpu.memory_space<vmem>>) semaphore(%arg14 : memref<!tpu.dma_semaphore, #tpu.memory_space<semaphore_mem>>)
      %mul3A_264 = arith.constant 512 : i32
      %mul3A_265 = arith.muli %add3A_184, %mul3A_264 : i32
      %add3A_266 = arith.constant 224 : i32
      %add3A_267 = arith.addi %mul3A_265, %add3A_266 : i32
      %dma_start3A_268 = tpu.memref_slice %arg8[%add3A_267] : memref<13312xf32, #tpu.memory_space<vmem>> -> memref<32xf32, #tpu.memory_space<vmem>>
      %dma_start3A_269 = arith.constant 224 : i32
      %dma_start3A_270 = tpu.memref_slice %arg7[%add3A_184, %dma_start3A_269] : memref<26x512xi32, #tpu.memory_space<vmem>> -> memref<1x32xi32, #tpu.memory_space<vmem>>
      %dma_start3A_271 = tpu.memref_squeeze %dma_start3A_270 : memref<1x32xi32, #tpu.memory_space<vmem>> -> memref<32xi32, #tpu.memory_space<vmem>>
      %dma_start3A_272 = tpu.memref_slice %arg3[%mul3A_186] : memref<2599936xf32, #tpu.memory_space<hbm>> -> memref<100000xf32, #tpu.memory_space<hbm>>
      %dma_start3A_273 = arith.constant 0 : i32
      %dma_start3A_274 = tpu.memref_slice %dma_start3A_272[%dma_start3A_273] : memref<100000xf32, #tpu.memory_space<hbm>> -> memref<100000xf32, #tpu.memory_space<hbm>>
      tpu.enqueue_indirect_dma source(%dma_start3A_274 : memref<100000xf32, #tpu.memory_space<hbm>>) target(%dma_start3A_268 : memref<32xf32, #tpu.memory_space<vmem>>) offsets(%dma_start3A_271 : memref<32xi32, #tpu.memory_space<vmem>>) semaphore(%arg14 : memref<!tpu.dma_semaphore, #tpu.memory_space<semaphore_mem>>)
      %mul3A_275 = arith.constant 512 : i32
      %mul3A_276 = arith.muli %add3A_184, %mul3A_275 : i32
      %add3A_277 = arith.constant 256 : i32
      %add3A_278 = arith.addi %mul3A_276, %add3A_277 : i32
      %dma_start3A_279 = tpu.memref_slice %arg8[%add3A_278] : memref<13312xf32, #tpu.memory_space<vmem>> -> memref<32xf32, #tpu.memory_space<vmem>>
      %dma_start3A_280 = arith.constant 256 : i32
      %dma_start3A_281 = tpu.memref_slice %arg7[%add3A_184, %dma_start3A_280] : memref<26x512xi32, #tpu.memory_space<vmem>> -> memref<1x32xi32, #tpu.memory_space<vmem>>
      %dma_start3A_282 = tpu.memref_squeeze %dma_start3A_281 : memref<1x32xi32, #tpu.memory_space<vmem>> -> memref<32xi32, #tpu.memory_space<vmem>>
      %dma_start3A_283 = tpu.memref_slice %arg3[%mul3A_186] : memref<2599936xf32, #tpu.memory_space<hbm>> -> memref<100000xf32, #tpu.memory_space<hbm>>
      %dma_start3A_284 = arith.constant 0 : i32
      %dma_start3A_285 = tpu.memref_slice %dma_start3A_283[%dma_start3A_284] : memref<100000xf32, #tpu.memory_space<hbm>> -> memref<100000xf32, #tpu.memory_space<hbm>>
      tpu.enqueue_indirect_dma source(%dma_start3A_285 : memref<100000xf32, #tpu.memory_space<hbm>>) target(%dma_start3A_279 : memref<32xf32, #tpu.memory_space<vmem>>) offsets(%dma_start3A_282 : memref<32xi32, #tpu.memory_space<vmem>>) semaphore(%arg14 : memref<!tpu.dma_semaphore, #tpu.memory_space<semaphore_mem>>)
      %mul3A_286 = arith.constant 512 : i32
      %mul3A_287 = arith.muli %add3A_184, %mul3A_286 : i32
      %add3A_288 = arith.constant 288 : i32
      %add3A_289 = arith.addi %mul3A_287, %add3A_288 : i32
      %dma_start3A_290 = tpu.memref_slice %arg8[%add3A_289] : memref<13312xf32, #tpu.memory_space<vmem>> -> memref<32xf32, #tpu.memory_space<vmem>>
      %dma_start3A_291 = arith.constant 288 : i32
      %dma_start3A_292 = tpu.memref_slice %arg7[%add3A_184, %dma_start3A_291] : memref<26x512xi32, #tpu.memory_space<vmem>> -> memref<1x32xi32, #tpu.memory_space<vmem>>
      %dma_start3A_293 = tpu.memref_squeeze %dma_start3A_292 : memref<1x32xi32, #tpu.memory_space<vmem>> -> memref<32xi32, #tpu.memory_space<vmem>>
      %dma_start3A_294 = tpu.memref_slice %arg3[%mul3A_186] : memref<2599936xf32, #tpu.memory_space<hbm>> -> memref<100000xf32, #tpu.memory_space<hbm>>
      %dma_start3A_295 = arith.constant 0 : i32
      %dma_start3A_296 = tpu.memref_slice %dma_start3A_294[%dma_start3A_295] : memref<100000xf32, #tpu.memory_space<hbm>> -> memref<100000xf32, #tpu.memory_space<hbm>>
      tpu.enqueue_indirect_dma source(%dma_start3A_296 : memref<100000xf32, #tpu.memory_space<hbm>>) target(%dma_start3A_290 : memref<32xf32, #tpu.memory_space<vmem>>) offsets(%dma_start3A_293 : memref<32xi32, #tpu.memory_space<vmem>>) semaphore(%arg14 : memref<!tpu.dma_semaphore, #tpu.memory_space<semaphore_mem>>)
      %mul3A_297 = arith.constant 512 : i32
      %mul3A_298 = arith.muli %add3A_184, %mul3A_297 : i32
      %add3A_299 = arith.constant 320 : i32
      %add3A_300 = arith.addi %mul3A_298, %add3A_299 : i32
      %dma_start3A_301 = tpu.memref_slice %arg8[%add3A_300] : memref<13312xf32, #tpu.memory_space<vmem>> -> memref<32xf32, #tpu.memory_space<vmem>>
      %dma_start3A_302 = arith.constant 320 : i32
      %dma_start3A_303 = tpu.memref_slice %arg7[%add3A_184, %dma_start3A_302] : memref<26x512xi32, #tpu.memory_space<vmem>> -> memref<1x32xi32, #tpu.memory_space<vmem>>
      %dma_start3A_304 = tpu.memref_squeeze %dma_start3A_303 : memref<1x32xi32, #tpu.memory_space<vmem>> -> memref<32xi32, #tpu.memory_space<vmem>>
      %dma_start3A_305 = tpu.memref_slice %arg3[%mul3A_186] : memref<2599936xf32, #tpu.memory_space<hbm>> -> memref<100000xf32, #tpu.memory_space<hbm>>
      %dma_start3A_306 = arith.constant 0 : i32
      %dma_start3A_307 = tpu.memref_slice %dma_start3A_305[%dma_start3A_306] : memref<100000xf32, #tpu.memory_space<hbm>> -> memref<100000xf32, #tpu.memory_space<hbm>>
      tpu.enqueue_indirect_dma source(%dma_start3A_307 : memref<100000xf32, #tpu.memory_space<hbm>>) target(%dma_start3A_301 : memref<32xf32, #tpu.memory_space<vmem>>) offsets(%dma_start3A_304 : memref<32xi32, #tpu.memory_space<vmem>>) semaphore(%arg14 : memref<!tpu.dma_semaphore, #tpu.memory_space<semaphore_mem>>)
      %mul3A_308 = arith.constant 512 : i32
      %mul3A_309 = arith.muli %add3A_184, %mul3A_308 : i32
      %add3A_310 = arith.constant 352 : i32
      %add3A_311 = arith.addi %mul3A_309, %add3A_310 : i32
      %dma_start3A_312 = tpu.memref_slice %arg8[%add3A_311] : memref<13312xf32, #tpu.memory_space<vmem>> -> memref<32xf32, #tpu.memory_space<vmem>>
      %dma_start3A_313 = arith.constant 352 : i32
      %dma_start3A_314 = tpu.memref_slice %arg7[%add3A_184, %dma_start3A_313] : memref<26x512xi32, #tpu.memory_space<vmem>> -> memref<1x32xi32, #tpu.memory_space<vmem>>
      %dma_start3A_315 = tpu.memref_squeeze %dma_start3A_314 : memref<1x32xi32, #tpu.memory_space<vmem>> -> memref<32xi32, #tpu.memory_space<vmem>>
      %dma_start3A_316 = tpu.memref_slice %arg3[%mul3A_186] : memref<2599936xf32, #tpu.memory_space<hbm>> -> memref<100000xf32, #tpu.memory_space<hbm>>
      %dma_start3A_317 = arith.constant 0 : i32
      %dma_start3A_318 = tpu.memref_slice %dma_start3A_316[%dma_start3A_317] : memref<100000xf32, #tpu.memory_space<hbm>> -> memref<100000xf32, #tpu.memory_space<hbm>>
      tpu.enqueue_indirect_dma source(%dma_start3A_318 : memref<100000xf32, #tpu.memory_space<hbm>>) target(%dma_start3A_312 : memref<32xf32, #tpu.memory_space<vmem>>) offsets(%dma_start3A_315 : memref<32xi32, #tpu.memory_space<vmem>>) semaphore(%arg14 : memref<!tpu.dma_semaphore, #tpu.memory_space<semaphore_mem>>)
      %mul3A_319 = arith.constant 512 : i32
      %mul3A_320 = arith.muli %add3A_184, %mul3A_319 : i32
      %add3A_321 = arith.constant 384 : i32
      %add3A_322 = arith.addi %mul3A_320, %add3A_321 : i32
      %dma_start3A_323 = tpu.memref_slice %arg8[%add3A_322] : memref<13312xf32, #tpu.memory_space<vmem>> -> memref<32xf32, #tpu.memory_space<vmem>>
      %dma_start3A_324 = arith.constant 384 : i32
      %dma_start3A_325 = tpu.memref_slice %arg7[%add3A_184, %dma_start3A_324] : memref<26x512xi32, #tpu.memory_space<vmem>> -> memref<1x32xi32, #tpu.memory_space<vmem>>
      %dma_start3A_326 = tpu.memref_squeeze %dma_start3A_325 : memref<1x32xi32, #tpu.memory_space<vmem>> -> memref<32xi32, #tpu.memory_space<vmem>>
      %dma_start3A_327 = tpu.memref_slice %arg3[%mul3A_186] : memref<2599936xf32, #tpu.memory_space<hbm>> -> memref<100000xf32, #tpu.memory_space<hbm>>
      %dma_start3A_328 = arith.constant 0 : i32
      %dma_start3A_329 = tpu.memref_slice %dma_start3A_327[%dma_start3A_328] : memref<100000xf32, #tpu.memory_space<hbm>> -> memref<100000xf32, #tpu.memory_space<hbm>>
      tpu.enqueue_indirect_dma source(%dma_start3A_329 : memref<100000xf32, #tpu.memory_space<hbm>>) target(%dma_start3A_323 : memref<32xf32, #tpu.memory_space<vmem>>) offsets(%dma_start3A_326 : memref<32xi32, #tpu.memory_space<vmem>>) semaphore(%arg14 : memref<!tpu.dma_semaphore, #tpu.memory_space<semaphore_mem>>)
      %mul3A_330 = arith.constant 512 : i32
      %mul3A_331 = arith.muli %add3A_184, %mul3A_330 : i32
      %add3A_332 = arith.constant 416 : i32
      %add3A_333 = arith.addi %mul3A_331, %add3A_332 : i32
      %dma_start3A_334 = tpu.memref_slice %arg8[%add3A_333] : memref<13312xf32, #tpu.memory_space<vmem>> -> memref<32xf32, #tpu.memory_space<vmem>>
      %dma_start3A_335 = arith.constant 416 : i32
      %dma_start3A_336 = tpu.memref_slice %arg7[%add3A_184, %dma_start3A_335] : memref<26x512xi32, #tpu.memory_space<vmem>> -> memref<1x32xi32, #tpu.memory_space<vmem>>
      %dma_start3A_337 = tpu.memref_squeeze %dma_start3A_336 : memref<1x32xi32, #tpu.memory_space<vmem>> -> memref<32xi32, #tpu.memory_space<vmem>>
      %dma_start3A_338 = tpu.memref_slice %arg3[%mul3A_186] : memref<2599936xf32, #tpu.memory_space<hbm>> -> memref<100000xf32, #tpu.memory_space<hbm>>
      %dma_start3A_339 = arith.constant 0 : i32
      %dma_start3A_340 = tpu.memref_slice %dma_start3A_338[%dma_start3A_339] : memref<100000xf32, #tpu.memory_space<hbm>> -> memref<100000xf32, #tpu.memory_space<hbm>>
      tpu.enqueue_indirect_dma source(%dma_start3A_340 : memref<100000xf32, #tpu.memory_space<hbm>>) target(%dma_start3A_334 : memref<32xf32, #tpu.memory_space<vmem>>) offsets(%dma_start3A_337 : memref<32xi32, #tpu.memory_space<vmem>>) semaphore(%arg14 : memref<!tpu.dma_semaphore, #tpu.memory_space<semaphore_mem>>)
      %mul3A_341 = arith.constant 512 : i32
      %mul3A_342 = arith.muli %add3A_184, %mul3A_341 : i32
      %add3A_343 = arith.constant 448 : i32
      %add3A_344 = arith.addi %mul3A_342, %add3A_343 : i32
      %dma_start3A_345 = tpu.memref_slice %arg8[%add3A_344] : memref<13312xf32, #tpu.memory_space<vmem>> -> memref<32xf32, #tpu.memory_space<vmem>>
      %dma_start3A_346 = arith.constant 448 : i32
      %dma_start3A_347 = tpu.memref_slice %arg7[%add3A_184, %dma_start3A_346] : memref<26x512xi32, #tpu.memory_space<vmem>> -> memref<1x32xi32, #tpu.memory_space<vmem>>
      %dma_start3A_348 = tpu.memref_squeeze %dma_start3A_347 : memref<1x32xi32, #tpu.memory_space<vmem>> -> memref<32xi32, #tpu.memory_space<vmem>>
      %dma_start3A_349 = tpu.memref_slice %arg3[%mul3A_186] : memref<2599936xf32, #tpu.memory_space<hbm>> -> memref<100000xf32, #tpu.memory_space<hbm>>
      %dma_start3A_350 = arith.constant 0 : i32
      %dma_start3A_351 = tpu.memref_slice %dma_start3A_349[%dma_start3A_350] : memref<100000xf32, #tpu.memory_space<hbm>> -> memref<100000xf32, #tpu.memory_space<hbm>>
      tpu.enqueue_indirect_dma source(%dma_start3A_351 : memref<100000xf32, #tpu.memory_space<hbm>>) target(%dma_start3A_345 : memref<32xf32, #tpu.memory_space<vmem>>) offsets(%dma_start3A_348 : memref<32xi32, #tpu.memory_space<vmem>>) semaphore(%arg14 : memref<!tpu.dma_semaphore, #tpu.memory_space<semaphore_mem>>)
      %mul3A_352 = arith.constant 512 : i32
      %mul3A_353 = arith.muli %add3A_184, %mul3A_352 : i32
      %add3A_354 = arith.constant 480 : i32
      %add3A_355 = arith.addi %mul3A_353, %add3A_354 : i32
      %dma_start3A_356 = tpu.memref_slice %arg8[%add3A_355] : memref<13312xf32, #tpu.memory_space<vmem>> -> memref<32xf32, #tpu.memory_space<vmem>>
      %dma_start3A_357 = arith.constant 480 : i32
      %dma_start3A_358 = tpu.memref_slice %arg7[%add3A_184, %dma_start3A_357] : memref<26x512xi32, #tpu.memory_space<vmem>> -> memref<1x32xi32, #tpu.memory_space<vmem>>
      %dma_start3A_359 = tpu.memref_squeeze %dma_start3A_358 : memref<1x32xi32, #tpu.memory_space<vmem>> -> memref<32xi32, #tpu.memory_space<vmem>>
      %dma_start3A_360 = tpu.memref_slice %arg3[%mul3A_186] : memref<2599936xf32, #tpu.memory_space<hbm>> -> memref<100000xf32, #tpu.memory_space<hbm>>
      %dma_start3A_361 = arith.constant 0 : i32
      %dma_start3A_362 = tpu.memref_slice %dma_start3A_360[%dma_start3A_361] : memref<100000xf32, #tpu.memory_space<hbm>> -> memref<100000xf32, #tpu.memory_space<hbm>>
      tpu.enqueue_indirect_dma source(%dma_start3A_362 : memref<100000xf32, #tpu.memory_space<hbm>>) target(%dma_start3A_356 : memref<32xf32, #tpu.memory_space<vmem>>) offsets(%dma_start3A_359 : memref<32xi32, #tpu.memory_space<vmem>>) semaphore(%arg14 : memref<!tpu.dma_semaphore, #tpu.memory_space<semaphore_mem>>)
    }
    %scan3A_17 = arith.constant 12 : i32
    %scan3A_18 = arith.constant 0 : i32
    %scan3A_19 = arith.constant 32 : i32
    %scan3A_20 = arith.addi %scan3A_18, %scan3A_19 : i32
    %scan3A_21 = arith.constant 1 : i32
    scf.for %scan3A_180 = %scan3A_18 to %scan3A_20 step %scan3A_21  : i32 {
      %mul3A_181 = arith.constant 16 : i32
      %mul3A_182 = arith.muli %scan3A_180, %mul3A_181 : i32
      %add3A_183 = arith.constant 0 : i32
      %add3A_184 = arith.addi %add3A_183, %mul3A_182 : i32
      %get3A = arith.constant 25 : i32
      %get3A_185 = arith.index_cast %get3A : i32 to index
      %get3A_186 = arith.index_cast %add3A_184 : i32 to index
      %get3A_187 = tpu.vector_load %arg7[%get3A_185, %get3A_186] {strides = array<i32>} : memref<26x512xi32, #tpu.memory_space<vmem>>, vector<16xi32>,
      %min3A = arith.constant 99935 : i32
      %min3A_188 = vector.broadcast %min3A : i32 to vector<16xi32>
      %min3A_189 = arith.minsi %get3A_187, %min3A_188 : vector<16xi32>
      %swap3A = arith.index_cast %add3A_184 : i32 to index
      %swap3A_190 = tpu.vector_load %arg9[%swap3A] {strides = array<i32>} : memref<512xi32, #tpu.memory_space<vmem>>, vector<16xi32>,
      tpu.vector_store %arg9[%swap3A], %min3A_189 {strides = array<i32>} : memref<512xi32, #tpu.memory_space<vmem>>, vector<16xi32>,
    }
    %scan3A_22 = arith.constant 32 : i32
    %dma_start3A_23 = arith.constant 12800 : i32
    %dma_start3A_24 = tpu.memref_slice %arg8[%dma_start3A_23] : memref<13312xf32, #tpu.memory_space<vmem>> -> memref<32xf32, #tpu.memory_space<vmem>>
    %dma_start3A_25 = arith.constant 0 : i32
    %dma_start3A_26 = tpu.memref_slice %arg9[%dma_start3A_25] : memref<512xi32, #tpu.memory_space<vmem>> -> memref<32xi32, #tpu.memory_space<vmem>>
    %dma_start3A_27 = arith.constant 2500000 : i32
    %dma_start3A_28 = tpu.memref_slice %arg3[%dma_start3A_27] : memref<2599936xf32, #tpu.memory_space<hbm>> -> memref<99936xf32, #tpu.memory_space<hbm>>
    %dma_start3A_29 = arith.constant 0 : i32
    %dma_start3A_30 = tpu.memref_slice %dma_start3A_28[%dma_start3A_29] : memref<99936xf32, #tpu.memory_space<hbm>> -> memref<99936xf32, #tpu.memory_space<hbm>>
    tpu.enqueue_indirect_dma source(%dma_start3A_30 : memref<99936xf32, #tpu.memory_space<hbm>>) target(%dma_start3A_24 : memref<32xf32, #tpu.memory_space<vmem>>) offsets(%dma_start3A_26 : memref<32xi32, #tpu.memory_space<vmem>>) semaphore(%arg14 : memref<!tpu.dma_semaphore, #tpu.memory_space<semaphore_mem>>)
    %dma_start3A_31 = arith.constant 12832 : i32
    %dma_start3A_32 = tpu.memref_slice %arg8[%dma_start3A_31] : memref<13312xf32, #tpu.memory_space<vmem>> -> memref<32xf32, #tpu.memory_space<vmem>>
    %dma_start3A_33 = arith.constant 32 : i32
    %dma_start3A_34 = tpu.memref_slice %arg9[%dma_start3A_33] : memref<512xi32, #tpu.memory_space<vmem>> -> memref<32xi32, #tpu.memory_space<vmem>>
    %dma_start3A_35 = arith.constant 2500000 : i32
    %dma_start3A_36 = tpu.memref_slice %arg3[%dma_start3A_35] : memref<2599936xf32, #tpu.memory_space<hbm>> -> memref<99936xf32, #tpu.memory_space<hbm>>
    %dma_start3A_37 = arith.constant 0 : i32
    %dma_start3A_38 = tpu.memref_slice %dma_start3A_36[%dma_start3A_37] : memref<99936xf32, #tpu.memory_space<hbm>> -> memref<99936xf32, #tpu.memory_space<hbm>>
    tpu.enqueue_indirect_dma source(%dma_start3A_38 : memref<99936xf32, #tpu.memory_space<hbm>>) target(%dma_start3A_32 : memref<32xf32, #tpu.memory_space<vmem>>) offsets(%dma_start3A_34 : memref<32xi32, #tpu.memory_space<vmem>>) semaphore(%arg14 : memref<!tpu.dma_semaphore, #tpu.memory_space<semaphore_mem>>)
    %dma_start3A_39 = arith.constant 12864 : i32
    %dma_start3A_40 = tpu.memref_slice %arg8[%dma_start3A_39] : memref<13312xf32, #tpu.memory_space<vmem>> -> memref<32xf32, #tpu.memory_space<vmem>>
    %dma_start3A_41 = arith.constant 64 : i32
    %dma_start3A_42 = tpu.memref_slice %arg9[%dma_start3A_41] : memref<512xi32, #tpu.memory_space<vmem>> -> memref<32xi32, #tpu.memory_space<vmem>>
    %dma_start3A_43 = arith.constant 2500000 : i32
    %dma_start3A_44 = tpu.memref_slice %arg3[%dma_start3A_43] : memref<2599936xf32, #tpu.memory_space<hbm>> -> memref<99936xf32, #tpu.memory_space<hbm>>
    %dma_start3A_45 = arith.constant 0 : i32
    %dma_start3A_46 = tpu.memref_slice %dma_start3A_44[%dma_start3A_45] : memref<99936xf32, #tpu.memory_space<hbm>> -> memref<99936xf32, #tpu.memory_space<hbm>>
    tpu.enqueue_indirect_dma source(%dma_start3A_46 : memref<99936xf32, #tpu.memory_space<hbm>>) target(%dma_start3A_40 : memref<32xf32, #tpu.memory_space<vmem>>) offsets(%dma_start3A_42 : memref<32xi32, #tpu.memory_space<vmem>>) semaphore(%arg14 : memref<!tpu.dma_semaphore, #tpu.memory_space<semaphore_mem>>)
    %dma_start3A_47 = arith.constant 12896 : i32
    %dma_start3A_48 = tpu.memref_slice %arg8[%dma_start3A_47] : memref<13312xf32, #tpu.memory_space<vmem>> -> memref<32xf32, #tpu.memory_space<vmem>>
    %dma_start3A_49 = arith.constant 96 : i32
    %dma_start3A_50 = tpu.memref_slice %arg9[%dma_start3A_49] : memref<512xi32, #tpu.memory_space<vmem>> -> memref<32xi32, #tpu.memory_space<vmem>>
    %dma_start3A_51 = arith.constant 2500000 : i32
    %dma_start3A_52 = tpu.memref_slice %arg3[%dma_start3A_51] : memref<2599936xf32, #tpu.memory_space<hbm>> -> memref<99936xf32, #tpu.memory_space<hbm>>
    %dma_start3A_53 = arith.constant 0 : i32
    %dma_start3A_54 = tpu.memref_slice %dma_start3A_52[%dma_start3A_53] : memref<99936xf32, #tpu.memory_space<hbm>> -> memref<99936xf32, #tpu.memory_space<hbm>>
    tpu.enqueue_indirect_dma source(%dma_start3A_54 : memref<99936xf32, #tpu.memory_space<hbm>>) target(%dma_start3A_48 : memref<32xf32, #tpu.memory_space<vmem>>) offsets(%dma_start3A_50 : memref<32xi32, #tpu.memory_space<vmem>>) semaphore(%arg14 : memref<!tpu.dma_semaphore, #tpu.memory_space<semaphore_mem>>)
    %dma_start3A_55 = arith.constant 12928 : i32
    %dma_start3A_56 = tpu.memref_slice %arg8[%dma_start3A_55] : memref<13312xf32, #tpu.memory_space<vmem>> -> memref<32xf32, #tpu.memory_space<vmem>>
    %dma_start3A_57 = arith.constant 128 : i32
    %dma_start3A_58 = tpu.memref_slice %arg9[%dma_start3A_57] : memref<512xi32, #tpu.memory_space<vmem>> -> memref<32xi32, #tpu.memory_space<vmem>>
    %dma_start3A_59 = arith.constant 2500000 : i32
    %dma_start3A_60 = tpu.memref_slice %arg3[%dma_start3A_59] : memref<2599936xf32, #tpu.memory_space<hbm>> -> memref<99936xf32, #tpu.memory_space<hbm>>
    %dma_start3A_61 = arith.constant 0 : i32
    %dma_start3A_62 = tpu.memref_slice %dma_start3A_60[%dma_start3A_61] : memref<99936xf32, #tpu.memory_space<hbm>> -> memref<99936xf32, #tpu.memory_space<hbm>>
    tpu.enqueue_indirect_dma source(%dma_start3A_62 : memref<99936xf32, #tpu.memory_space<hbm>>) target(%dma_start3A_56 : memref<32xf32, #tpu.memory_space<vmem>>) offsets(%dma_start3A_58 : memref<32xi32, #tpu.memory_space<vmem>>) semaphore(%arg14 : memref<!tpu.dma_semaphore, #tpu.memory_space<semaphore_mem>>)
    %dma_start3A_63 = arith.constant 12960 : i32
    %dma_start3A_64 = tpu.memref_slice %arg8[%dma_start3A_63] : memref<13312xf32, #tpu.memory_space<vmem>> -> memref<32xf32, #tpu.memory_space<vmem>>
    %dma_start3A_65 = arith.constant 160 : i32
    %dma_start3A_66 = tpu.memref_slice %arg9[%dma_start3A_65] : memref<512xi32, #tpu.memory_space<vmem>> -> memref<32xi32, #tpu.memory_space<vmem>>
    %dma_start3A_67 = arith.constant 2500000 : i32
    %dma_start3A_68 = tpu.memref_slice %arg3[%dma_start3A_67] : memref<2599936xf32, #tpu.memory_space<hbm>> -> memref<99936xf32, #tpu.memory_space<hbm>>
    %dma_start3A_69 = arith.constant 0 : i32
    %dma_start3A_70 = tpu.memref_slice %dma_start3A_68[%dma_start3A_69] : memref<99936xf32, #tpu.memory_space<hbm>> -> memref<99936xf32, #tpu.memory_space<hbm>>
    tpu.enqueue_indirect_dma source(%dma_start3A_70 : memref<99936xf32, #tpu.memory_space<hbm>>) target(%dma_start3A_64 : memref<32xf32, #tpu.memory_space<vmem>>) offsets(%dma_start3A_66 : memref<32xi32, #tpu.memory_space<vmem>>) semaphore(%arg14 : memref<!tpu.dma_semaphore, #tpu.memory_space<semaphore_mem>>)
    %dma_start3A_71 = arith.constant 12992 : i32
    %dma_start3A_72 = tpu.memref_slice %arg8[%dma_start3A_71] : memref<13312xf32, #tpu.memory_space<vmem>> -> memref<32xf32, #tpu.memory_space<vmem>>
    %dma_start3A_73 = arith.constant 192 : i32
    %dma_start3A_74 = tpu.memref_slice %arg9[%dma_start3A_73] : memref<512xi32, #tpu.memory_space<vmem>> -> memref<32xi32, #tpu.memory_space<vmem>>
    %dma_start3A_75 = arith.constant 2500000 : i32
    %dma_start3A_76 = tpu.memref_slice %arg3[%dma_start3A_75] : memref<2599936xf32, #tpu.memory_space<hbm>> -> memref<99936xf32, #tpu.memory_space<hbm>>
    %dma_start3A_77 = arith.constant 0 : i32
    %dma_start3A_78 = tpu.memref_slice %dma_start3A_76[%dma_start3A_77] : memref<99936xf32, #tpu.memory_space<hbm>> -> memref<99936xf32, #tpu.memory_space<hbm>>
    tpu.enqueue_indirect_dma source(%dma_start3A_78 : memref<99936xf32, #tpu.memory_space<hbm>>) target(%dma_start3A_72 : memref<32xf32, #tpu.memory_space<vmem>>) offsets(%dma_start3A_74 : memref<32xi32, #tpu.memory_space<vmem>>) semaphore(%arg14 : memref<!tpu.dma_semaphore, #tpu.memory_space<semaphore_mem>>)
    %dma_start3A_79 = arith.constant 13024 : i32
    %dma_start3A_80 = tpu.memref_slice %arg8[%dma_start3A_79] : memref<13312xf32, #tpu.memory_space<vmem>> -> memref<32xf32, #tpu.memory_space<vmem>>
    %dma_start3A_81 = arith.constant 224 : i32
    %dma_start3A_82 = tpu.memref_slice %arg9[%dma_start3A_81] : memref<512xi32, #tpu.memory_space<vmem>> -> memref<32xi32, #tpu.memory_space<vmem>>
    %dma_start3A_83 = arith.constant 2500000 : i32
    %dma_start3A_84 = tpu.memref_slice %arg3[%dma_start3A_83] : memref<2599936xf32, #tpu.memory_space<hbm>> -> memref<99936xf32, #tpu.memory_space<hbm>>
    %dma_start3A_85 = arith.constant 0 : i32
    %dma_start3A_86 = tpu.memref_slice %dma_start3A_84[%dma_start3A_85] : memref<99936xf32, #tpu.memory_space<hbm>> -> memref<99936xf32, #tpu.memory_space<hbm>>
    tpu.enqueue_indirect_dma source(%dma_start3A_86 : memref<99936xf32, #tpu.memory_space<hbm>>) target(%dma_start3A_80 : memref<32xf32, #tpu.memory_space<vmem>>) offsets(%dma_start3A_82 : memref<32xi32, #tpu.memory_space<vmem>>) semaphore(%arg14 : memref<!tpu.dma_semaphore, #tpu.memory_space<semaphore_mem>>)
    %dma_start3A_87 = arith.constant 13056 : i32
    %dma_start3A_88 = tpu.memref_slice %arg8[%dma_start3A_87] : memref<13312xf32, #tpu.memory_space<vmem>> -> memref<32xf32, #tpu.memory_space<vmem>>
    %dma_start3A_89 = arith.constant 256 : i32
    %dma_start3A_90 = tpu.memref_slice %arg9[%dma_start3A_89] : memref<512xi32, #tpu.memory_space<vmem>> -> memref<32xi32, #tpu.memory_space<vmem>>
    %dma_start3A_91 = arith.constant 2500000 : i32
    %dma_start3A_92 = tpu.memref_slice %arg3[%dma_start3A_91] : memref<2599936xf32, #tpu.memory_space<hbm>> -> memref<99936xf32, #tpu.memory_space<hbm>>
    %dma_start3A_93 = arith.constant 0 : i32
    %dma_start3A_94 = tpu.memref_slice %dma_start3A_92[%dma_start3A_93] : memref<99936xf32, #tpu.memory_space<hbm>> -> memref<99936xf32, #tpu.memory_space<hbm>>
    tpu.enqueue_indirect_dma source(%dma_start3A_94 : memref<99936xf32, #tpu.memory_space<hbm>>) target(%dma_start3A_88 : memref<32xf32, #tpu.memory_space<vmem>>) offsets(%dma_start3A_90 : memref<32xi32, #tpu.memory_space<vmem>>) semaphore(%arg14 : memref<!tpu.dma_semaphore, #tpu.memory_space<semaphore_mem>>)
    %dma_start3A_95 = arith.constant 13088 : i32
    %dma_start3A_96 = tpu.memref_slice %arg8[%dma_start3A_95] : memref<13312xf32, #tpu.memory_space<vmem>> -> memref<32xf32, #tpu.memory_space<vmem>>
    %dma_start3A_97 = arith.constant 288 : i32
    %dma_start3A_98 = tpu.memref_slice %arg9[%dma_start3A_97] : memref<512xi32, #tpu.memory_space<vmem>> -> memref<32xi32, #tpu.memory_space<vmem>>
    %dma_start3A_99 = arith.constant 2500000 : i32
    %dma_start3A_100 = tpu.memref_slice %arg3[%dma_start3A_99] : memref<2599936xf32, #tpu.memory_space<hbm>> -> memref<99936xf32, #tpu.memory_space<hbm>>
    %dma_start3A_101 = arith.constant 0 : i32
    %dma_start3A_102 = tpu.memref_slice %dma_start3A_100[%dma_start3A_101] : memref<99936xf32, #tpu.memory_space<hbm>> -> memref<99936xf32, #tpu.memory_space<hbm>>
    tpu.enqueue_indirect_dma source(%dma_start3A_102 : memref<99936xf32, #tpu.memory_space<hbm>>) target(%dma_start3A_96 : memref<32xf32, #tpu.memory_space<vmem>>) offsets(%dma_start3A_98 : memref<32xi32, #tpu.memory_space<vmem>>) semaphore(%arg14 : memref<!tpu.dma_semaphore, #tpu.memory_space<semaphore_mem>>)
    %dma_start3A_103 = arith.constant 13120 : i32
    %dma_start3A_104 = tpu.memref_slice %arg8[%dma_start3A_103] : memref<13312xf32, #tpu.memory_space<vmem>> -> memref<32xf32, #tpu.memory_space<vmem>>
    %dma_start3A_105 = arith.constant 320 : i32
    %dma_start3A_106 = tpu.memref_slice %arg9[%dma_start3A_105] : memref<512xi32, #tpu.memory_space<vmem>> -> memref<32xi32, #tpu.memory_space<vmem>>
    %dma_start3A_107 = arith.constant 2500000 : i32
    %dma_start3A_108 = tpu.memref_slice %arg3[%dma_start3A_107] : memref<2599936xf32, #tpu.memory_space<hbm>> -> memref<99936xf32, #tpu.memory_space<hbm>>
    %dma_start3A_109 = arith.constant 0 : i32
    %dma_start3A_110 = tpu.memref_slice %dma_start3A_108[%dma_start3A_109] : memref<99936xf32, #tpu.memory_space<hbm>> -> memref<99936xf32, #tpu.memory_space<hbm>>
    tpu.enqueue_indirect_dma source(%dma_start3A_110 : memref<99936xf32, #tpu.memory_space<hbm>>) target(%dma_start3A_104 : memref<32xf32, #tpu.memory_space<vmem>>) offsets(%dma_start3A_106 : memref<32xi32, #tpu.memory_space<vmem>>) semaphore(%arg14 : memref<!tpu.dma_semaphore, #tpu.memory_space<semaphore_mem>>)
    %dma_start3A_111 = arith.constant 13152 : i32
    %dma_start3A_112 = tpu.memref_slice %arg8[%dma_start3A_111] : memref<13312xf32, #tpu.memory_space<vmem>> -> memref<32xf32, #tpu.memory_space<vmem>>
    %dma_start3A_113 = arith.constant 352 : i32
    %dma_start3A_114 = tpu.memref_slice %arg9[%dma_start3A_113] : memref<512xi32, #tpu.memory_space<vmem>> -> memref<32xi32, #tpu.memory_space<vmem>>
    %dma_start3A_115 = arith.constant 2500000 : i32
    %dma_start3A_116 = tpu.memref_slice %arg3[%dma_start3A_115] : memref<2599936xf32, #tpu.memory_space<hbm>> -> memref<99936xf32, #tpu.memory_space<hbm>>
    %dma_start3A_117 = arith.constant 0 : i32
    %dma_start3A_118 = tpu.memref_slice %dma_start3A_116[%dma_start3A_117] : memref<99936xf32, #tpu.memory_space<hbm>> -> memref<99936xf32, #tpu.memory_space<hbm>>
    tpu.enqueue_indirect_dma source(%dma_start3A_118 : memref<99936xf32, #tpu.memory_space<hbm>>) target(%dma_start3A_112 : memref<32xf32, #tpu.memory_space<vmem>>) offsets(%dma_start3A_114 : memref<32xi32, #tpu.memory_space<vmem>>) semaphore(%arg14 : memref<!tpu.dma_semaphore, #tpu.memory_space<semaphore_mem>>)
    %dma_start3A_119 = arith.constant 13184 : i32
    %dma_start3A_120 = tpu.memref_slice %arg8[%dma_start3A_119] : memref<13312xf32, #tpu.memory_space<vmem>> -> memref<32xf32, #tpu.memory_space<vmem>>
    %dma_start3A_121 = arith.constant 384 : i32
    %dma_start3A_122 = tpu.memref_slice %arg9[%dma_start3A_121] : memref<512xi32, #tpu.memory_space<vmem>> -> memref<32xi32, #tpu.memory_space<vmem>>
    %dma_start3A_123 = arith.constant 2500000 : i32
    %dma_start3A_124 = tpu.memref_slice %arg3[%dma_start3A_123] : memref<2599936xf32, #tpu.memory_space<hbm>> -> memref<99936xf32, #tpu.memory_space<hbm>>
    %dma_start3A_125 = arith.constant 0 : i32
    %dma_start3A_126 = tpu.memref_slice %dma_start3A_124[%dma_start3A_125] : memref<99936xf32, #tpu.memory_space<hbm>> -> memref<99936xf32, #tpu.memory_space<hbm>>
    tpu.enqueue_indirect_dma source(%dma_start3A_126 : memref<99936xf32, #tpu.memory_space<hbm>>) target(%dma_start3A_120 : memref<32xf32, #tpu.memory_space<vmem>>) offsets(%dma_start3A_122 : memref<32xi32, #tpu.memory_space<vmem>>) semaphore(%arg14 : memref<!tpu.dma_semaphore, #tpu.memory_space<semaphore_mem>>)
    %dma_start3A_127 = arith.constant 13216 : i32
    %dma_start3A_128 = tpu.memref_slice %arg8[%dma_start3A_127] : memref<13312xf32, #tpu.memory_space<vmem>> -> memref<32xf32, #tpu.memory_space<vmem>>
    %dma_start3A_129 = arith.constant 416 : i32
    %dma_start3A_130 = tpu.memref_slice %arg9[%dma_start3A_129] : memref<512xi32, #tpu.memory_space<vmem>> -> memref<32xi32, #tpu.memory_space<vmem>>
    %dma_start3A_131 = arith.constant 2500000 : i32
    %dma_start3A_132 = tpu.memref_slice %arg3[%dma_start3A_131] : memref<2599936xf32, #tpu.memory_space<hbm>> -> memref<99936xf32, #tpu.memory_space<hbm>>
    %dma_start3A_133 = arith.constant 0 : i32
    %dma_start3A_134 = tpu.memref_slice %dma_start3A_132[%dma_start3A_133] : memref<99936xf32, #tpu.memory_space<hbm>> -> memref<99936xf32, #tpu.memory_space<hbm>>
    tpu.enqueue_indirect_dma source(%dma_start3A_134 : memref<99936xf32, #tpu.memory_space<hbm>>) target(%dma_start3A_128 : memref<32xf32, #tpu.memory_space<vmem>>) offsets(%dma_start3A_130 : memref<32xi32, #tpu.memory_space<vmem>>) semaphore(%arg14 : memref<!tpu.dma_semaphore, #tpu.memory_space<semaphore_mem>>)
    %dma_start3A_135 = arith.constant 13248 : i32
    %dma_start3A_136 = tpu.memref_slice %arg8[%dma_start3A_135] : memref<13312xf32, #tpu.memory_space<vmem>> -> memref<32xf32, #tpu.memory_space<vmem>>
    %dma_start3A_137 = arith.constant 448 : i32
    %dma_start3A_138 = tpu.memref_slice %arg9[%dma_start3A_137] : memref<512xi32, #tpu.memory_space<vmem>> -> memref<32xi32, #tpu.memory_space<vmem>>
    %dma_start3A_139 = arith.constant 2500000 : i32
    %dma_start3A_140 = tpu.memref_slice %arg3[%dma_start3A_139] : memref<2599936xf32, #tpu.memory_space<hbm>> -> memref<99936xf32, #tpu.memory_space<hbm>>
    %dma_start3A_141 = arith.constant 0 : i32
    %dma_start3A_142 = tpu.memref_slice %dma_start3A_140[%dma_start3A_141] : memref<99936xf32, #tpu.memory_space<hbm>> -> memref<99936xf32, #tpu.memory_space<hbm>>
    tpu.enqueue_indirect_dma source(%dma_start3A_142 : memref<99936xf32, #tpu.memory_space<hbm>>) target(%dma_start3A_136 : memref<32xf32, #tpu.memory_space<vmem>>) offsets(%dma_start3A_138 : memref<32xi32, #tpu.memory_space<vmem>>) semaphore(%arg14 : memref<!tpu.dma_semaphore, #tpu.memory_space<semaphore_mem>>)
    %dma_start3A_143 = arith.constant 13280 : i32
    %dma_start3A_144 = tpu.memref_slice %arg8[%dma_start3A_143] : memref<13312xf32, #tpu.memory_space<vmem>> -> memref<32xf32, #tpu.memory_space<vmem>>
    %dma_start3A_145 = arith.constant 480 : i32
    %dma_start3A_146 = tpu.memref_slice %arg9[%dma_start3A_145] : memref<512xi32, #tpu.memory_space<vmem>> -> memref<32xi32, #tpu.memory_space<vmem>>
    %dma_start3A_147 = arith.constant 2500000 : i32
    %dma_start3A_148 = tpu.memref_slice %arg3[%dma_start3A_147] : memref<2599936xf32, #tpu.memory_space<hbm>> -> memref<99936xf32, #tpu.memory_space<hbm>>
    %dma_start3A_149 = arith.constant 0 : i32
    %dma_start3A_150 = tpu.memref_slice %dma_start3A_148[%dma_start3A_149] : memref<99936xf32, #tpu.memory_space<hbm>> -> memref<99936xf32, #tpu.memory_space<hbm>>
    tpu.enqueue_indirect_dma source(%dma_start3A_150 : memref<99936xf32, #tpu.memory_space<hbm>>) target(%dma_start3A_144 : memref<32xf32, #tpu.memory_space<vmem>>) offsets(%dma_start3A_146 : memref<32xi32, #tpu.memory_space<vmem>>) semaphore(%arg14 : memref<!tpu.dma_semaphore, #tpu.memory_space<semaphore_mem>>)
    %dma_wait3A_151 = arith.constant 0 : i32
    %dma_wait3A_152 = tpu.memref_slice %arg8[%dma_wait3A_151] : memref<13312xf32, #tpu.memory_space<vmem>> -> memref<6656xf32, #tpu.memory_space<vmem>>
    %dma_wait3A_153 = arith.constant 0 : i32
    %dma_wait3A_154 = tpu.memref_slice %arg3[%dma_wait3A_153] : memref<2599936xf32, #tpu.memory_space<hbm>> -> memref<6656xf32, #tpu.memory_space<hbm>>
    %dma_wait3A_155 = arith.constant 0 : i32
    %dma_wait3A_156 = tpu.memref_slice %arg8[%dma_wait3A_155] : memref<13312xf32, #tpu.memory_space<vmem>> -> memref<6656xf32, #tpu.memory_space<vmem>>
    %dma_wait3A_157 = arith.constant 0 : i32
    %dma_wait3A_158 = tpu.memref_slice %arg3[%dma_wait3A_157] : memref<2599936xf32, #tpu.memory_space<hbm>> -> memref<6656xf32, #tpu.memory_space<hbm>>
    tpu.wait_dma2 semaphore(%arg13 : memref<!tpu.dma_semaphore, #tpu.memory_space<semaphore_mem>>) src(%dma_wait3A_158 : memref<6656xf32, #tpu.memory_space<hbm>>) dst(%dma_wait3A_156 : memref<6656xf32, #tpu.memory_space<vmem>>)
    %scan3A_159 = arith.constant 0 : i32
    %scan3A_160 = arith.constant 32 : i32
    %scan3A_161 = arith.addi %scan3A_159, %scan3A_160 : i32
    %scan3A_162 = arith.constant 1 : i32
    scf.for %scan3A_180 = %scan3A_159 to %scan3A_161 step %scan3A_162  : i32 {
      %mul3A_181 = arith.constant 16 : i32
      %mul3A_182 = arith.muli %scan3A_180, %mul3A_181 : i32
      %add3A_183 = arith.constant 0 : i32
      %add3A_184 = arith.addi %add3A_183, %mul3A_182 : i32
      %broadcast_in_dim3A = arith.constant 0.000000e+00 : f32
      %broadcast_in_dim3A_185 = vector.broadcast %broadcast_in_dim3A : f32 to vector<16xf32>
      %add3A_186 = arith.constant 0 : i32
      %add3A_187 = arith.addi %add3A_186, %add3A_184 : i32
      %get3A = arith.index_cast %add3A_187 : i32 to index
      %get3A_188 = tpu.vector_load %arg8[%get3A] {strides = array<i32>} : memref<13312xf32, #tpu.memory_space<vmem>>, vector<16xf32>,
      %add3A_189 = arith.addf %broadcast_in_dim3A_185, %get3A_188 : vector<16xf32>
      %add3A_190 = arith.constant 512 : i32
      %add3A_191 = arith.addi %add3A_190, %add3A_184 : i32
      %get3A_192 = arith.index_cast %add3A_191 : i32 to index
      %get3A_193 = tpu.vector_load %arg8[%get3A_192] {strides = array<i32>} : memref<13312xf32, #tpu.memory_space<vmem>>, vector<16xf32>,
      %add3A_194 = arith.addf %add3A_189, %get3A_193 : vector<16xf32>
      %add3A_195 = arith.constant 1024 : i32
      %add3A_196 = arith.addi %add3A_195, %add3A_184 : i32
      %get3A_197 = arith.index_cast %add3A_196 : i32 to index
      %get3A_198 = tpu.vector_load %arg8[%get3A_197] {strides = array<i32>} : memref<13312xf32, #tpu.memory_space<vmem>>, vector<16xf32>,
      %add3A_199 = arith.addf %add3A_194, %get3A_198 : vector<16xf32>
      %add3A_200 = arith.constant 1536 : i32
      %add3A_201 = arith.addi %add3A_200, %add3A_184 : i32
      %get3A_202 = arith.index_cast %add3A_201 : i32 to index
      %get3A_203 = tpu.vector_load %arg8[%get3A_202] {strides = array<i32>} : memref<13312xf32, #tpu.memory_space<vmem>>, vector<16xf32>,
      %add3A_204 = arith.addf %add3A_199, %get3A_203 : vector<16xf32>
      %add3A_205 = arith.constant 2048 : i32
      %add3A_206 = arith.addi %add3A_205, %add3A_184 : i32
      %get3A_207 = arith.index_cast %add3A_206 : i32 to index
      %get3A_208 = tpu.vector_load %arg8[%get3A_207] {strides = array<i32>} : memref<13312xf32, #tpu.memory_space<vmem>>, vector<16xf32>,
      %add3A_209 = arith.addf %add3A_204, %get3A_208 : vector<16xf32>
      %add3A_210 = arith.constant 2560 : i32
      %add3A_211 = arith.addi %add3A_210, %add3A_184 : i32
      %get3A_212 = arith.index_cast %add3A_211 : i32 to index
      %get3A_213 = tpu.vector_load %arg8[%get3A_212] {strides = array<i32>} : memref<13312xf32, #tpu.memory_space<vmem>>, vector<16xf32>,
      %add3A_214 = arith.addf %add3A_209, %get3A_213 : vector<16xf32>
      %add3A_215 = arith.constant 3072 : i32
      %add3A_216 = arith.addi %add3A_215, %add3A_184 : i32
      %get3A_217 = arith.index_cast %add3A_216 : i32 to index
      %get3A_218 = tpu.vector_load %arg8[%get3A_217] {strides = array<i32>} : memref<13312xf32, #tpu.memory_space<vmem>>, vector<16xf32>,
      %add3A_219 = arith.addf %add3A_214, %get3A_218 : vector<16xf32>
      %add3A_220 = arith.constant 3584 : i32
      %add3A_221 = arith.addi %add3A_220, %add3A_184 : i32
      %get3A_222 = arith.index_cast %add3A_221 : i32 to index
      %get3A_223 = tpu.vector_load %arg8[%get3A_222] {strides = array<i32>} : memref<13312xf32, #tpu.memory_space<vmem>>, vector<16xf32>,
      %add3A_224 = arith.addf %add3A_219, %get3A_223 : vector<16xf32>
      %add3A_225 = arith.constant 4096 : i32
      %add3A_226 = arith.addi %add3A_225, %add3A_184 : i32
      %get3A_227 = arith.index_cast %add3A_226 : i32 to index
      %get3A_228 = tpu.vector_load %arg8[%get3A_227] {strides = array<i32>} : memref<13312xf32, #tpu.memory_space<vmem>>, vector<16xf32>,
      %add3A_229 = arith.addf %add3A_224, %get3A_228 : vector<16xf32>
      %add3A_230 = arith.constant 4608 : i32
      %add3A_231 = arith.addi %add3A_230, %add3A_184 : i32
      %get3A_232 = arith.index_cast %add3A_231 : i32 to index
      %get3A_233 = tpu.vector_load %arg8[%get3A_232] {strides = array<i32>} : memref<13312xf32, #tpu.memory_space<vmem>>, vector<16xf32>,
      %add3A_234 = arith.addf %add3A_229, %get3A_233 : vector<16xf32>
      %add3A_235 = arith.constant 5120 : i32
      %add3A_236 = arith.addi %add3A_235, %add3A_184 : i32
      %get3A_237 = arith.index_cast %add3A_236 : i32 to index
      %get3A_238 = tpu.vector_load %arg8[%get3A_237] {strides = array<i32>} : memref<13312xf32, #tpu.memory_space<vmem>>, vector<16xf32>,
      %add3A_239 = arith.addf %add3A_234, %get3A_238 : vector<16xf32>
      %add3A_240 = arith.constant 5632 : i32
      %add3A_241 = arith.addi %add3A_240, %add3A_184 : i32
      %get3A_242 = arith.index_cast %add3A_241 : i32 to index
      %get3A_243 = tpu.vector_load %arg8[%get3A_242] {strides = array<i32>} : memref<13312xf32, #tpu.memory_space<vmem>>, vector<16xf32>,
      %add3A_244 = arith.addf %add3A_239, %get3A_243 : vector<16xf32>
      %add3A_245 = arith.constant 6144 : i32
      %add3A_246 = arith.addi %add3A_245, %add3A_184 : i32
      %get3A_247 = arith.index_cast %add3A_246 : i32 to index
      %get3A_248 = tpu.vector_load %arg8[%get3A_247] {strides = array<i32>} : memref<13312xf32, #tpu.memory_space<vmem>>, vector<16xf32>,
      %add3A_249 = arith.addf %add3A_244, %get3A_248 : vector<16xf32>
      %swap3A = arith.index_cast %add3A_184 : i32 to index
      %swap3A_250 = tpu.vector_load %arg11[%swap3A] {strides = array<i32>} : memref<512xf32, #tpu.memory_space<vmem>>, vector<16xf32>,
      tpu.vector_store %arg11[%swap3A], %add3A_249 {strides = array<i32>} : memref<512xf32, #tpu.memory_space<vmem>>, vector<16xf32>,
    }
    %scan3A_163 = arith.constant 32 : i32
    %dma_wait3A_164 = arith.constant 6656 : i32
    %dma_wait3A_165 = tpu.memref_slice %arg8[%dma_wait3A_164] : memref<13312xf32, #tpu.memory_space<vmem>> -> memref<6656xf32, #tpu.memory_space<vmem>>
    %dma_wait3A_166 = arith.constant 0 : i32
    %dma_wait3A_167 = tpu.memref_slice %arg3[%dma_wait3A_166] : memref<2599936xf32, #tpu.memory_space<hbm>> -> memref<6656xf32, #tpu.memory_space<hbm>>
    %dma_wait3A_168 = arith.constant 6656 : i32
    %dma_wait3A_169 = tpu.memref_slice %arg8[%dma_wait3A_168] : memref<13312xf32, #tpu.memory_space<vmem>> -> memref<6656xf32, #tpu.memory_space<vmem>>
    %dma_wait3A_170 = arith.constant 0 : i32
    %dma_wait3A_171 = tpu.memref_slice %arg3[%dma_wait3A_170] : memref<2599936xf32, #tpu.memory_space<hbm>> -> memref<6656xf32, #tpu.memory_space<hbm>>
    tpu.wait_dma2 semaphore(%arg14 : memref<!tpu.dma_semaphore, #tpu.memory_space<semaphore_mem>>) src(%dma_wait3A_171 : memref<6656xf32, #tpu.memory_space<hbm>>) dst(%dma_wait3A_169 : memref<6656xf32, #tpu.memory_space<vmem>>)
    %iota3A = tpu.iota {dimensions = array<i32: 0>} : vector<16xi32>
    %mul3A_172 = arith.constant 0 : i32
    %mul3A_173 = vector.broadcast %mul3A_172 : i32 to vector<16xi32>
    %mul3A_174 = arith.muli %iota3A, %mul3A_173 : vector<16xi32>
    %gather3A = tpu.vector_load_idx %arg12[%mul3A_174] : memref<1xf32, #tpu.memory_space<vmem>>[vector<16xi32>], vector<16xf32>,
    %scan3A_175 = arith.constant 0 : i32
    %scan3A_176 = arith.constant 32 : i32
    %scan3A_177 = arith.addi %scan3A_175, %scan3A_176 : i32
    %scan3A_178 = arith.constant 1 : i32
    scf.for %scan3A_180 = %scan3A_175 to %scan3A_177 step %scan3A_178  : i32 {
      %mul3A_181 = arith.constant 16 : i32
      %mul3A_182 = arith.muli %scan3A_180, %mul3A_181 : i32
      %add3A_183 = arith.constant 0 : i32
      %add3A_184 = arith.addi %add3A_183, %mul3A_182 : i32
      %get3A = arith.index_cast %add3A_184 : i32 to index
      %get3A_185 = tpu.vector_load %arg11[%get3A] {strides = array<i32>} : memref<512xf32, #tpu.memory_space<vmem>>, vector<16xf32>,
      %add3A_186 = arith.constant 6656 : i32
      %add3A_187 = arith.addi %add3A_186, %add3A_184 : i32
      %get3A_188 = arith.index_cast %add3A_187 : i32 to index
      %get3A_189 = tpu.vector_load %arg8[%get3A_188] {strides = array<i32>} : memref<13312xf32, #tpu.memory_space<vmem>>, vector<16xf32>,
      %add3A_190 = arith.addf %get3A_185, %get3A_189 : vector<16xf32>
      %add3A_191 = arith.constant 7168 : i32
      %add3A_192 = arith.addi %add3A_191, %add3A_184 : i32
      %get3A_193 = arith.index_cast %add3A_192 : i32 to index
      %get3A_194 = tpu.vector_load %arg8[%get3A_193] {strides = array<i32>} : memref<13312xf32, #tpu.memory_space<vmem>>, vector<16xf32>,
      %add3A_195 = arith.addf %add3A_190, %get3A_194 : vector<16xf32>
      %add3A_196 = arith.constant 7680 : i32
      %add3A_197 = arith.addi %add3A_196, %add3A_184 : i32
      %get3A_198 = arith.index_cast %add3A_197 : i32 to index
      %get3A_199 = tpu.vector_load %arg8[%get3A_198] {strides = array<i32>} : memref<13312xf32, #tpu.memory_space<vmem>>, vector<16xf32>,
      %add3A_200 = arith.addf %add3A_195, %get3A_199 : vector<16xf32>
      %add3A_201 = arith.constant 8192 : i32
      %add3A_202 = arith.addi %add3A_201, %add3A_184 : i32
      %get3A_203 = arith.index_cast %add3A_202 : i32 to index
      %get3A_204 = tpu.vector_load %arg8[%get3A_203] {strides = array<i32>} : memref<13312xf32, #tpu.memory_space<vmem>>, vector<16xf32>,
      %add3A_205 = arith.addf %add3A_200, %get3A_204 : vector<16xf32>
      %add3A_206 = arith.constant 8704 : i32
      %add3A_207 = arith.addi %add3A_206, %add3A_184 : i32
      %get3A_208 = arith.index_cast %add3A_207 : i32 to index
      %get3A_209 = tpu.vector_load %arg8[%get3A_208] {strides = array<i32>} : memref<13312xf32, #tpu.memory_space<vmem>>, vector<16xf32>,
      %add3A_210 = arith.addf %add3A_205, %get3A_209 : vector<16xf32>
      %add3A_211 = arith.constant 9216 : i32
      %add3A_212 = arith.addi %add3A_211, %add3A_184 : i32
      %get3A_213 = arith.index_cast %add3A_212 : i32 to index
      %get3A_214 = tpu.vector_load %arg8[%get3A_213] {strides = array<i32>} : memref<13312xf32, #tpu.memory_space<vmem>>, vector<16xf32>,
      %add3A_215 = arith.addf %add3A_210, %get3A_214 : vector<16xf32>
      %add3A_216 = arith.constant 9728 : i32
      %add3A_217 = arith.addi %add3A_216, %add3A_184 : i32
      %get3A_218 = arith.index_cast %add3A_217 : i32 to index
      %get3A_219 = tpu.vector_load %arg8[%get3A_218] {strides = array<i32>} : memref<13312xf32, #tpu.memory_space<vmem>>, vector<16xf32>,
      %add3A_220 = arith.addf %add3A_215, %get3A_219 : vector<16xf32>
      %add3A_221 = arith.constant 10240 : i32
      %add3A_222 = arith.addi %add3A_221, %add3A_184 : i32
      %get3A_223 = arith.index_cast %add3A_222 : i32 to index
      %get3A_224 = tpu.vector_load %arg8[%get3A_223] {strides = array<i32>} : memref<13312xf32, #tpu.memory_space<vmem>>, vector<16xf32>,
      %add3A_225 = arith.addf %add3A_220, %get3A_224 : vector<16xf32>
      %add3A_226 = arith.constant 10752 : i32
      %add3A_227 = arith.addi %add3A_226, %add3A_184 : i32
      %get3A_228 = arith.index_cast %add3A_227 : i32 to index
      %get3A_229 = tpu.vector_load %arg8[%get3A_228] {strides = array<i32>} : memref<13312xf32, #tpu.memory_space<vmem>>, vector<16xf32>,
      %add3A_230 = arith.addf %add3A_225, %get3A_229 : vector<16xf32>
      %add3A_231 = arith.constant 11264 : i32
      %add3A_232 = arith.addi %add3A_231, %add3A_184 : i32
      %get3A_233 = arith.index_cast %add3A_232 : i32 to index
      %get3A_234 = tpu.vector_load %arg8[%get3A_233] {strides = array<i32>} : memref<13312xf32, #tpu.memory_space<vmem>>, vector<16xf32>,
      %add3A_235 = arith.addf %add3A_230, %get3A_234 : vector<16xf32>
      %add3A_236 = arith.constant 11776 : i32
      %add3A_237 = arith.addi %add3A_236, %add3A_184 : i32
      %get3A_238 = arith.index_cast %add3A_237 : i32 to index
      %get3A_239 = tpu.vector_load %arg8[%get3A_238] {strides = array<i32>} : memref<13312xf32, #tpu.memory_space<vmem>>, vector<16xf32>,
      %add3A_240 = arith.addf %add3A_235, %get3A_239 : vector<16xf32>
      %add3A_241 = arith.constant 12288 : i32
      %add3A_242 = arith.addi %add3A_241, %add3A_184 : i32
      %get3A_243 = arith.index_cast %add3A_242 : i32 to index
      %get3A_244 = tpu.vector_load %arg8[%get3A_243] {strides = array<i32>} : memref<13312xf32, #tpu.memory_space<vmem>>, vector<16xf32>,
      %add3A_245 = arith.addf %add3A_240, %get3A_244 : vector<16xf32>
      %get3A_246 = arith.constant 25 : i32
      %get3A_247 = arith.index_cast %get3A_246 : i32 to index
      %get3A_248 = arith.index_cast %add3A_184 : i32 to index
      %get3A_249 = tpu.vector_load %arg7[%get3A_247, %get3A_248] {strides = array<i32>} : memref<26x512xi32, #tpu.memory_space<vmem>>, vector<16xi32>,
      %add3A_250 = arith.constant 12800 : i32
      %add3A_251 = arith.addi %add3A_250, %add3A_184 : i32
      %get3A_252 = arith.index_cast %add3A_251 : i32 to index
      %get3A_253 = tpu.vector_load %arg8[%get3A_252] {strides = array<i32>} : memref<13312xf32, #tpu.memory_space<vmem>>, vector<16xf32>,
      %sub3A = arith.constant 99808 : i32
      %sub3A_254 = vector.broadcast %sub3A : i32 to vector<16xi32>
      %sub3A_255 = arith.subi %get3A_249, %sub3A_254 : vector<16xi32>
      %max3A = arith.constant 0 : i32
      %max3A_256 = vector.broadcast %max3A : i32 to vector<16xi32>
      %max3A_257 = arith.maxsi %sub3A_255, %max3A_256 : vector<16xi32>
      %gather3A_258 = tpu.vector_load_idx %arg10[%max3A_257] : memref<192xf32, #tpu.memory_space<vmem>>[vector<16xi32>], vector<16xf32>,
      %ge3A = arith.constant 99936 : i32
      %ge3A_259 = vector.broadcast %ge3A : i32 to vector<16xi32>
      %ge3A_260 = arith.cmpi sge, %get3A_249, %ge3A_259 : vector<16xi32>
      %select_n3A = arith.select %ge3A_260, %gather3A_258, %get3A_253 : vector<16xi1>, vector<16xf32>
      %add3A_261 = arith.addf %add3A_245, %select_n3A : vector<16xf32>
      %add3A_262 = arith.addf %add3A_261, %gather3A : vector<16xf32>
      %neg3A = arith.constant 0.000000e+00 : f32
      %neg3A_263 = vector.broadcast %neg3A : f32 to vector<16xf32>
      %neg3A_264 = arith.subf %neg3A_263, %add3A_262 : vector<16xf32>
      %exp3A = math.exp %neg3A_264 : vector<16xf32>
      %add3A_265 = arith.constant 1.000000e+00 : f32
      %add3A_266 = vector.broadcast %add3A_265 : f32 to vector<16xf32>
      %add3A_267 = arith.addf %add3A_266, %exp3A : vector<16xf32>
      %div3A = arith.constant 1.000000e+00 : f32
      %div3A_268 = vector.broadcast %div3A : f32 to vector<16xf32>
      %div3A_269 = arith.divf %div3A_268, %add3A_267 : vector<16xf32>
      %swap3A = arith.index_cast %add3A_184 : i32 to index
      %swap3A_270 = tpu.vector_load %arg11[%swap3A] {strides = array<i32>} : memref<512xf32, #tpu.memory_space<vmem>>, vector<16xf32>,
      tpu.vector_store %arg11[%swap3A], %div3A_269 {strides = array<i32>} : memref<512xf32, #tpu.memory_space<vmem>>, vector<16xf32>,
    }
    %scan3A_179 = arith.constant 32 : i32
    "tpu.region"() ({
      %run_scoped3A = tpu.sem_alloc : memref<!tpu.dma_semaphore, #tpu.memory_space<semaphore_mem>>
      %dma_start3A_180 = tpu.memref_slice %arg6[%mul3A_2] : memref<16384xf32, #tpu.memory_space<hbm>> -> memref<512xf32, #tpu.memory_space<hbm>>
      %dma_start3A_181 = tpu.memref_slice %arg6[%mul3A_2] : memref<16384xf32, #tpu.memory_space<hbm>> -> memref<512xf32, #tpu.memory_space<hbm>>
      tpu.enqueue_dma source(%arg11 : memref<512xf32, #tpu.memory_space<vmem>>) target(%dma_start3A_181 : memref<512xf32, #tpu.memory_space<hbm>>) target_semaphore(%run_scoped3A : memref<!tpu.dma_semaphore, #tpu.memory_space<semaphore_mem>>)
      %dma_wait3A_182 = tpu.memref_slice %arg6[%mul3A_2] : memref<16384xf32, #tpu.memory_space<hbm>> -> memref<512xf32, #tpu.memory_space<hbm>>
      %dma_wait3A_183 = tpu.memref_slice %arg6[%mul3A_2] : memref<16384xf32, #tpu.memory_space<hbm>> -> memref<512xf32, #tpu.memory_space<hbm>>
      tpu.wait_dma2 semaphore(%run_scoped3A : memref<!tpu.dma_semaphore, #tpu.memory_space<semaphore_mem>>) src(%arg11 : memref<512xf32, #tpu.memory_space<vmem>>) dst(%dma_wait3A_183 : memref<512xf32, #tpu.memory_space<hbm>>)
      tpu.yield
    }) : () -> ()
    return
  }
}

</mosaic_0001>

<sc_bundles>
// kernel: kernel.3.cloned.1.call-start
scs
__scs_entry_jumppad:
0x0: {  	(pc) =	sbr.rel $0x88, $3  }
0x1: {  	(tag) =	ssettag $0x0;
	lr =	simm.s32 $0x1  }
0x2: {  	[smem:$0x3F9E] =	sst lr;
	_ =	strace $0xD0000000  }
0x3: {  	_ = 	snop  }
0x4: {  	_ = 	snop  }
0x5: {  	_ = 	snop  }
0x6: {  	_ = 	snop  }
0x7: {  	_ = 	snop  }
__scs_overlays_trampoline_lowered:
0x8: {  	[smem:$0x3FAD] =	sst s0  }
0x9: {  	[smem:$0x3FAE] =	sst s1  }
0xa: {  	[smem:$0x3FAF] =	sst s2  }
0xb: {  	[smem:$0x3FB0] =	sst s3  }
0xc: {  	[smem:$0x3FB1] =	sst s4  }
0xd: {  	[smem:$0x3FB2] =	sst s5  }
0xe: {  	[smem:$0x3FB3] =	sst s6  }
0xf: {  	[smem:$0x3FB4] =	sst s7  }
0x10: {  	[smem:$0x3FB5] =	sst s8  }
0x11: {  	[smem:$0x3FB6] =	sst s9;
	s0 =	simm.s32 @!p0 $0x0  }
0x12: {  	s1 =	sld [smem:$0x3F9C];
	s0 =	simm.s32 @p0 $0x1  }
0x13: {  	[smem:$0x3FB7] =	sst s0;
	s0 =	simm.s32 @!p1 $0x0  }
0x14: {  	s2 =	sld [smem:$0x3F9B];
	s0 =	simm.s32 @p1 $0x1  }
0x15: {  	[smem:$0x3FB8] =	sst s0;
	s0 =	simm.s32 @!p2 $0x0  }
0x16: {  	s3 =	sld [smem:$0x3FDB];
	s0 =	simm.s32 @p2 $0x1  }
0x17: {  	s4 =	simm.s32 $0x1BF5;
	[smem:$0x3FBA] =	sst s0  }
0x18: {  	s0 =	sld [smem:$0x3F9D];
	_ =	swait.ge [sflag:s4], $0x0  }
0x19: {  	s7 =	sld [smem:$0x3F9E]  }
0x1a: {  	s8 =	sadd.s32 $0xFFFFE003, lr  }
0x1b: {  	s9 =	sadd.s32 $0xFFFFFEF7, lr;
	s5 =	simm.s32 $0xFFFFFFFF;
	p2 =	slt.u32 s8, $0xFFFFF086  }
0x1c: {  	p1 =	slt.u32 s9, $0xF7A;
	s5 =	simm.s32 @!p2 $0x0  }
0x1d: {  	s5 =	simm.s32 @p1 $0x1;
	p0 =	seq.s32 s7, s2  }
0x1e: {  	s7 =	smul.u32 @!p0 $0xF7A, s2;
	p2 =	seq.s32 @!p0 s5, $0x0  }
0x1f: {  	s9 =	smul.u32 $0xF7A, s1;
	s8 =	simm.s32 @!p0 $0x1BF5;
	p2 =	por !p2, p0  }
0x20: {  	[sflag:s8] =	ssyncset.s32 @!p0 $0xFFFFF086;
	s6 =	sadd.s32 @!p0 s3, s7;
	s7 =	simm.s32 @!p0 $0x108  }
0x21: {  	s3 =	sadd.s32 s3, s9;
	s6 =	sadd.s32 @!p0 $0x88, s6;
	s7 =	simm.s32 @p2 $0x1082  }
0x22: {  	[simem:s7], [sflag:s8] =	dma.local @!p0 [hbm:s6], $0xF7A  }
0x23: {  	s9 =	sor.u32 $0xD0000000, s2;
	s6 =	simm.s32 $0x108;
	_ =	swait.ge @!p0 [sflag:s8], $0x0  }
0x24: {  	s3 =	sadd.s32 $0x88, s3;
	s6 =	simm.s32 @!p1 $0x1082;
	[sflag:s4] =	ssyncset.s32 $0xFFFFF086  }
0x25: {  	[simem:s6], [sflag:s4] =	dma.local [hbm:s3], $0xF7A  }
0x26: {  	[smem:$0x3F9E] =	sst s1;
	(tag) =	ssettag s2;
	_ =	strace s9  }
0x27: {  	s1 =	sld [smem:$0x3FAE]  }
0x28: {  	s2 =	sld [smem:$0x3FAF]  }
0x29: {  	s4 =	sld [smem:$0x3FB1]  }
0x2a: {  	p0 =	seq.s32 s5, $0x0;
	s5 =	sld [smem:$0x3FB2]  }
0x2b: {  	s6 =	sld [smem:$0x3FB3]  }
0x2c: {  	s7 =	sld [smem:$0x3FB4]  }
0x2d: {  	s3 =	simm.s32 $0x108;
	s8 =	sld [smem:$0x3FB5]  }
0x2e: {  	s3 =	simm.s32 @!p0 $0x1082;
	s9 =	sld [smem:$0x3FB6]  }
0x2f: {  	lr =	sadd.s32 s0, s3;
	s0 =	sld [smem:$0x3FAD]  }
0x30: {  	s3 =	sld [smem:$0x3FB0]  }
0x31: {  	[smem:$0x3FB9] =	sst s10  }
0x32: {  	s10 =	sld [smem:$0x3FB7];
	_ =	sdelay $0x3  }
0x33: {  	p0 =	seq.s32 s10, $0x1;
	s10 =	sld [smem:$0x3FB9];
	_ =	sdelay $0x3  }
0x34: {  	[smem:$0x3FB9] =	sst s10  }
0x35: {  	s10 =	sld [smem:$0x3FB8];
	_ =	sdelay $0x3  }
0x36: {  	p1 =	seq.s32 s10, $0x1;
	s10 =	sld [smem:$0x3FB9];
	_ =	sdelay $0x3  }
0x37: {  	[smem:$0x3FB9] =	sst s10  }
0x38: {  	s10 =	sld [smem:$0x3FBA]  }
0x39: {  	_ = 	snop;
	(pc) =	sbr.ind lr, $3  }
0x3a: {  	_ = 	snop  }
0x3b: {  	_ = 	snop  }
0x3c: {  	p2 =	seq.s32 s10, $0x1;
	s10 =	sld [smem:$0x3FB9]  }
0x3d: {  	_ =	shalt  }
0x3e: {  	_ =	shalt  }
0x3f: {  	_ =	shalt  }
0x40: {  	_ =	shalt  }
0x41: {  	_ =	shalt  }
0x42: {  	_ =	shalt  }
0x43: {  	_ =	shalt  }
0x44: {  	_ =	shalt  }
0x45: {  	_ =	shalt  }
0x46: {  	_ =	shalt  }
0x47: {  	_ =	shalt  }
0x48: {  	_ =	shalt  }
0x49: {  	_ =	shalt  }
0x4a: {  	_ =	shalt  }
0x4b: {  	_ =	shalt  }
0x4c: {  	_ =	shalt  }
0x4d: {  	_ =	shalt  }
0x4e: {  	_ =	shalt  }
0x4f: {  	_ =	shalt  }
0x50: {  	_ =	shalt  }
0x51: {  	_ =	shalt  }
0x52: {  	_ =	shalt  }
0x53: {  	_ =	shalt  }
0x54: {  	_ =	shalt  }
0x55: {  	_ =	shalt  }
0x56: {  	_ =	shalt  }
0x57: {  	_ =	shalt  }
0x58: {  	_ =	shalt  }
0x59: {  	_ =	shalt  }
0x5a: {  	_ =	shalt  }
0x5b: {  	_ =	shalt  }
0x5c: {  	_ =	shalt  }
0x5d: {  	_ =	shalt  }
0x5e: {  	_ =	shalt  }
0x5f: {  	_ =	shalt  }
0x60: {  	_ =	shalt  }
0x61: {  	_ =	shalt  }
0x62: {  	_ =	shalt  }
0x63: {  	_ =	shalt  }
0x64: {  	_ =	shalt  }
0x65: {  	_ =	shalt  }
0x66: {  	_ =	shalt  }
0x67: {  	_ =	shalt  }
0x68: {  	_ =	shalt  }
0x69: {  	_ =	shalt  }
0x6a: {  	_ =	shalt  }
0x6b: {  	_ =	shalt  }
0x6c: {  	_ =	shalt  }
0x6d: {  	_ =	shalt  }
0x6e: {  	_ =	shalt  }
0x6f: {  	_ =	shalt  }
0x70: {  	_ =	shalt  }
0x71: {  	_ =	shalt  }
0x72: {  	_ =	shalt  }
0x73: {  	_ =	shalt  }
0x74: {  	_ =	shalt  }
0x75: {  	_ =	shalt  }
0x76: {  	_ =	shalt  }
0x77: {  	_ =	shalt  }
0x78: {  	_ =	shalt  }
0x79: {  	_ =	shalt  }
0x7a: {  	_ =	shalt  }
0x7b: {  	_ =	shalt  }
0x7c: {  	_ =	shalt  }
0x7d: {  	_ =	shalt  }
0x7e: {  	_ =	shalt  }
0x7f: {  	_ =	shalt  }
0x80: {  	_ =	shalt  }
0x81: {  	_ =	shalt  }
0x82: {  	_ =	shalt  }
0x83: {  	_ =	shalt  }
0x84: {  	_ =	shalt  }
0x85: {  	_ =	shalt  }
0x86: {  	_ =	shalt  }
0x87: {  	_ =	shalt  }
.Lfunc_end0:
.L_simem_size_0:
called_computation_lowered:
.L_overlay_start_0:
0x88: {  	s2 =	sld [smem:$0x3FD9]  }
0x89: {  	s3 =	sld [smem:$0x3FFE];
	_ =	sdelay $0x1  }
0x8a: {  	s1 =	srdreg.scid  }
0x8b: {  	s0 =	sand.u32 $0x1, s1  }
0x8c: {  	s17 =	sshll.u32 s0, $0xA;
	s2 =	sadd.s32 s3, s2  }
0x8d: {  	s2 =	sadd.s32 s2, s17  }
0x8e: {  	[smem:$0x3FC5] =	sst s2  }
0x8f: {  	_ = 	snop  }
0x90: {  	s2 =	sld [smem:$0x3FC9]  }
0x91: {  	s18 =	sld [smem:$0x3FC7]  }
0x92: {  	s4 =	sld [smem:$0x3FD0];
	(tm) =	ssettm $0x1  }
0x93: {  	s5 =	sld [smem:$0x3FFB];
	_ =	sdelay $0x3  }
0x94: {  	_ =	strace s5  }
0x95: {  	s5 =	sld [smem:$0x3FFC];
	_ =	sdelay $0x3  }
0x96: {  	_ =	strace s5  }
0x97: {  	s5 =	sld [smem:$0x3FFD];
	_ =	sdelay $0x3  }
0x98: {  	_ =	strace s5  }
0x99: {  	_ =	strace $0x8FFFFFFF  }
0x9a: {  	s19 =	sld [smem:$0x3FDB];
	_ =	sdelay $0x1  }
0x9b: {  	s6 =	simm.s32 $_scs_section_size  }
0x9c: {  	s7 =	simm.s32 $_size__tile_overlayer_lowered;
	s8 =	simm.s32 $_tile_overlayer_lowered  }
0x9d: {  	s22 =	simm.s32 $0x1BFF;
	s21 =	sshll.u32 s8, $0x1;
	s5 =	sadd.s32 s6, s19  }
0x9e: {  	s9 =	simm.s32 $0x0;
	s20 =	sshll.u32 s7, $0x1;
	s7 =	sadd.s32 s21, s5  }
0x9f: {  	[timem:s9], [sflag:s22] =	dma.local [hbm:s7], s20  }
0xa0: {  	_ =	swait.ge [sflag:s22], s20  }
0xa1: {  	s6 =	ssub.s32 $0x0, s20;
	[sflag:s22] =	ssyncset.done $0x0  }
0xa2: {  	[sflag:s22] =	ssyncadd.s32 s6;
	_ =	sdelay $0x1  }
0xa3: {  	s23 =	simm.s32 $0x1B8B  }
0xa4: {  	_ =	swait.ge [sflag:s23], $0x1  }
0xa5: {  	[sflag:s23] =	ssyncset.done $0x0  }
0xa6: {  	s25 =	simm.s32 $0x1B8E;
	s24 =	sld [smem:$0x3FFE];
	[sflag:s23] =	ssyncadd.s32 $0xFFFFFFFF  }
0xa7: {  	s26 =	simm.s32 $execute0_lowered;
	[smem:$0x3FD2] =	sst s25  }
0xa8: {  	s7 =	sshll.u32 s26, $0x1;
	_ =	strace $0x80000046;
	[dreg:$0x1] =	wrdreg $0xFFFFFFFF  }
0xa9: {  	s28 =	simm.s32 $_size_execute0_lowered;
	s5 =	sadd.s32 s5, s7;
	[dreg:$0x0] =	wrdreg $0x0  }
0xaa: {  	s7 =	sshll.u32 s28, $0x1;
	[dreg:$0x2] =	wrdreg s5  }
0xab: {  	[dreg:$0x3] =	wrdreg s7  }
0xac: {  	[dreg:$0x4] =	wrdreg $0xC0  }
0xad: {  	_ =	task [dreg:s9], $0x5FFFF  }
0xae: {  	[dreg:$0x1] =	wrdreg $0xFFFFFFFF  }
0xaf: {  	[dreg:$0x0] =	wrdreg $0x60  }
0xb0: {  	[dreg:$0x2] =	wrdreg s2  }
0xb1: {  	[dreg:$0x3] =	wrdreg s24  }
0xb2: {  	[dreg:$0x4] =	wrdreg s18  }
0xb3: {  	[dreg:$0x5] =	wrdreg s4  }
0xb4: {  	[dreg:$0x6] =	wrdreg $0x9  }
0xb5: {  	_ =	task.clear_ibuf [dreg:s9], $0x7FFFF;
	_ =	strace $0x90000046  }
0xb6: {  	s29 =	simm.s32 $0x9;
	_ =	strace $0x80000048  }
0xb7: {  	_ =	swait.ge [sflag:s29], $0x1  }
0xb8: {  	[sflag:s29] =	ssyncadd.s32 $0xFFFFFFFF  }
0xb9: {  	_ =	strace $0x90000048  }
0xba: {  	_ =	sfence  }
0xbb: {  	s30 =	sld [smem:$0x0];
	_ =	sdelay $0x2  }
0xbc: {  	s31 =	sshll.u32 s1, $0xD;
	s1 =	sshrl.u32 s1, $0x2  }
0xbd: {  	s3 =	sand.u32 $0x4000, s31;
	s1 =	sadd.s32 s1, s30  }
0xbe: {  	s0 =	sor.u32 s3, s0;
	s1 =	sshll.u32 s1, $0x11  }
0xbf: {  	s0 =	sor.u32 s1, s0  }
0xc0: {  	s0 =	sadd.s32 $0x8F2B, s0  }
0xc1: {  	[sflag:s0] =	ssyncadd.remote.s32 $0x1  }
0xc2: {  	_ =	sfence.sel $0xFFFF  }
0xc3: {  	[dreg:$0x0] =	wrdreg $0xFFFFFFFF;
	(pc) =	sbr.abs _section_cstart, $3  }
0xc4: {  	[dreg:$0x1] =	wrdreg $0xFFFFFFFF  }
0xc5: {  	_ =	task.clear_ibuf [dreg:s9], $0x2FFFF;
	_ =	strace $0x9FFFFFFF  }
0xc6: {  	(tm) =	ssettm $0x7FFFFFFF  }
0xc7: {  	_ =	shalt  }
tec
execute0_lowered:
.L_overlay_start_1:
0x0: {  	(tag) =	ssettag $0x1  }
0x1: {  	s0 =	rddreg [dreg:$0x0]  }
0x2: {  	s1 =	rddreg [dreg:$0x1]  }
0x3: {  	s3 =	rddreg [dreg:$0x3]  }
0x4: {  	s2 =	simm.s32 $0x0;
	s4 =	srdreg.scid;
	s8 =	stileid.u32  }
0x5: {  	s13 =	simm.s32 $0x7900;
	s14 =	simm.s32 $0x3;
	s15 =	simm.s32 $0x7600  }
0x6: {  	s16 =	simm.s32 $0x1;
	s17 =	simm.s32 $0x20;
	s28 =	simm.s32 $0x73A0  }
0x7: {  	s29 =	simm.s32 $0x75C0;
	s30 =	simm.s32 $0x73C0;
	s31 =	simm.s32 $0x75E0  }
0x8: {  	s11 =	simm.s32 $0x0;
	[smem:$0x7FF] =	sst s2;
	s5 =	sand.u32 $0x1, s4  }
0x9: {  	s4 =	sadd.s32 $0x600, s1;
	s8 =	sshll.u32 s8, $0xA;
	s24 =	sadd.s32 $0x280C4, s1  }
0xa: {  	_ =	strace $0x80000047;
	s6 =	ssub.s32 $0x2, s5;
	s9 =	sshll.u32 s5, $0x9  }
0xb: {  	s5 =	sadd.s32 $0x400, s1;
	s7 =	sshrl.u32 s6, $0x1;
	s8 =	sor.u32 s9, s8  }
0xc: {  	s10 =	ssub.s32 s6, s7;
	s6 =	sadd.s32 s0, s8;
	s7 =	sadd.s32 $0x4CAB4, s1  }
0xd: {  	s26 =	sshrl.u32 s8, $0x3;
	s0 =	simm.s32 $0x73E0;
	s1 =	simm.s32 $0x7700  }
0xe: {  	s8 =	sadd.s32 s3, s26;
	s9 =	smax.u32 s10, $0x1;
	s3 =	simm.s32 $0x2  }
.LBB2_1:
0xf: {  	s10 =	simm.s32 $0x1000;
	s12 =	simm.s32 $0x20000  }
0x10: {  	[tilespmem:s2], [sflag:$0x1] =	stream.strided.gather [hbm4b:s6+s10], $0x4000, s12, s10, $0x38;
	[tilespmem:$0x7980] =	vst v63  }
0x11: {  	s19 =	rddreg [dreg:$0x2]  }
0x12: {  	[tilespmem:s13], [sflag:$0x3] =	stream.linear.gather [hbm4b:s19+s2], $0x80, $0x38;
	[tilespmem:$0x7980] =	vst v63  }
0x13: {  	_ =	swait.ge [sflag:s14], $0x80  }
0x14: {  	[sflag:s14] =	ssyncset.done $0x0  }
0x15: {  	[sflag:s14] =	ssyncadd.s32 $0xFFFFFF80  }
0x16: {  	[tilespmem:s15], [sflag:$0x3] =	stream.linear.gather [hbm4b:s5+s2], $0x100, $0x38;
	[tilespmem:$0x7980] =	vst v63  }
0x17: {  	_ =	swait.ge [sflag:s14], $0x100  }
0x18: {  	[sflag:s14] =	ssyncset.done $0x0  }
0x19: {  	[sflag:s14] =	ssyncadd.s32 $0xFFFFFF00  }
0x1a: {  	_ =	swait.ge [sflag:s16], $0x4000  }
0x1b: {  	s20 =	sand.u32 $0x1000, s2;
	s21 =	sand.u32 $0x380, s2;
	[sflag:s16] =	ssyncset.done $0x0  }
0x1c: {  	s22 =	simm.s32 $0x4000;
	s20 =	sor.u32 s21, s20;
	[sflag:s16] =	ssyncadd.s32 $0xFFFFC000  }
0x1d: {  	[tilespmem:s22], [sflag:$0x1] =	stream.indirect.gather [hbm4b:s4+s17], $0x1, s20, s17, $0xb8;
	[tilespmem:$0x7980] =	vst v63  }
0x1e: {  	s23 =	simm.s32 $0x4020;
	s12 =	sor.u32 $0x20, s20  }
0x1f: {  	[tilespmem:s23], [sflag:$0x1] =	stream.indirect.gather [hbm4b:s4+s17], $0x1, s12, s17, $0xb8;
	[tilespmem:$0x7980] =	vst v63  }
0x20: {  	s25 =	simm.s32 $0x4040;
	s26 =	sor.u32 $0x40, s20  }
0x21: {  	[tilespmem:s25], [sflag:$0x1] =	stream.indirect.gather [hbm4b:s4+s17], $0x1, s26, s17, $0xb8;
	[tilespmem:$0x7980] =	vst v63  }
0x22: {  	s18 =	sor.u32 $0x60, s20;
	s12 =	simm.s32 $0x4060  }
0x23: {  	[tilespmem:s12], [sflag:$0x1] =	stream.indirect.gather [hbm4b:s4+s17], $0x1, s18, s17, $0xb8;
	[tilespmem:$0x7980] =	vst v63  }
0x24: {  	s21 =	sor.u32 $0x400, s20;
	s19 =	simm.s32 $0x4080  }
0x25: {  	[tilespmem:s19], [sflag:$0x1] =	stream.indirect.gather [hbm4b:s4+s17], $0x1, s21, s17, $0xb8;
	[tilespmem:$0x7980] =	vst v63  }
0x26: {  	s22 =	simm.s32 $0x40A0;
	s23 =	sor.u32 $0x420, s20  }
0x27: {  	[tilespmem:s22], [sflag:$0x1] =	stream.indirect.gather [hbm4b:s4+s17], $0x1, s23, s17, $0xb8;
	[tilespmem:$0x7980] =	vst v63  }
0x28: {  	s25 =	simm.s32 $0x40C0;
	s26 =	sor.u32 $0x440, s20  }
0x29: {  	[tilespmem:s25], [sflag:$0x1] =	stream.indirect.gather [hbm4b:s4+s17], $0x1, s26, s17, $0xb8;
	[tilespmem:$0x7980] =	vst v63  }
0x2a: {  	s12 =	simm.s32 $0x40E0;
	s18 =	sor.u32 $0x460, s20  }
0x2b: {  	[tilespmem:s12], [sflag:$0x1] =	stream.indirect.gather [hbm4b:s4+s17], $0x1, s18, s17, $0xb8;
	[tilespmem:$0x7980] =	vst v63  }
0x2c: {  	s10 =	simm.s32 $0x41E0;
	s19 =	simm.s32 $0x4100;
	s21 =	sor.u32 $0x800, s20  }
0x2d: {  	[tilespmem:s19], [sflag:$0x1] =	stream.indirect.gather [hbm4b:s4+s17], $0x1, s21, s17, $0xb8;
	[tilespmem:$0x7980] =	vst v63  }
0x2e: {  	s22 =	simm.s32 $0x4120;
	s23 =	sor.u32 $0x820, s20;
	s25 =	simm.s32 $0x4140  }
0x2f: {  	[tilespmem:s22], [sflag:$0x1] =	stream.indirect.gather [hbm4b:s4+s17], $0x1, s23, s17, $0xb8;
	[tilespmem:$0x7980] =	vst v63  }
0x30: {  	s26 =	sor.u32 $0x840, s20;
	s12 =	simm.s32 $0x4160;
	s18 =	sor.u32 $0x860, s20  }
0x31: {  	[tilespmem:s25], [sflag:$0x1] =	stream.indirect.gather [hbm4b:s4+s17], $0x1, s26, s17, $0xb8;
	[tilespmem:$0x7980] =	vst v63  }
0x32: {  	s19 =	simm.s32 $0x4180;
	s21 =	sor.u32 $0xC00, s20;
	s22 =	simm.s32 $0x41A0  }
0x33: {  	[tilespmem:s12], [sflag:$0x1] =	stream.indirect.gather [hbm4b:s4+s17], $0x1, s18, s17, $0xb8;
	[tilespmem:$0x7980] =	vst v63  }
0x34: {  	s23 =	sor.u32 $0xC20, s20;
	s25 =	simm.s32 $0x41C0;
	s26 =	sor.u32 $0xC40, s20  }
0x35: {  	[tilespmem:s19], [sflag:$0x1] =	stream.indirect.gather [hbm4b:s4+s17], $0x1, s21, s17, $0xb8;
	[tilespmem:$0x7980] =	vst v63  }
0x36: {  	s12 =	simm.s32 $0x800;
	s18 =	sadd.s32 $0x30D4, s4;
	s19 =	simm.s32 $0x200  }
0x37: {  	[tilespmem:s22], [sflag:$0x1] =	stream.indirect.gather [hbm4b:s4+s17], $0x1, s23, s17, $0xb8;
	[tilespmem:$0x7980] =	vst v63  }
0x38: {  	s21 =	sor.u32 $0xC60, s20;
	s20 =	simm.s32 $0x80;
	s23 =	smov.u32 s4  }
0x39: {  	[tilespmem:s25], [sflag:$0x1] =	stream.indirect.gather [hbm4b:s4+s17], $0x1, s26, s17, $0xb8;
	[tilespmem:$0x7980] =	vst v63  }
.LBB2_2:
0x3a: {  	[tilespmem:s10], [sflag:$0x1] =	stream.indirect.gather [hbm4b:s23+s17], $0x1, s21, s17, $0xb8;
	[tilespmem:$0x7980] =	vst v63  }
0x3b: {  	s10 =	sand.u32 $0x1000, s19;
	s22 =	sand.u32 $0x380, s20;
	s21 =	sshra.s32 s12, $0x2  }
0x3c: {  	p0 =	sne.s32 s12, $0x6000;
	s22 =	sor.u32 s22, s10;
	s10 =	sadd.s32 $0x4000, s21  }
0x3d: {  	[tilespmem:s10], [sflag:$0x1] =	stream.indirect.gather [hbm4b:s18+s17], $0x1, s22, s17, $0xb8;
	[tilespmem:$0x7980] =	vst v63  }
0x3e: {  	s12 =	sadd.s32 $0x800, s12;
	s23 =	sor.u32 $0x20, s22;
	s10 =	sadd.s32 $0x4020, s21  }
0x3f: {  	[tilespmem:s10], [sflag:$0x1] =	stream.indirect.gather [hbm4b:s18+s17], $0x1, s23, s17, $0xb8;
	[tilespmem:$0x7980] =	vst v63  }
0x40: {  	s25 =	sor.u32 $0x40, s22;
	s10 =	sadd.s32 $0x4040, s21;
	s23 =	smov.u32 s18  }
0x41: {  	[tilespmem:s10], [sflag:$0x1] =	stream.indirect.gather [hbm4b:s18+s17], $0x1, s25, s17, $0xb8;
	[tilespmem:$0x7980] =	vst v63  }
0x42: {  	s10 =	sadd.s32 $0x4060, s21;
	s25 =	sor.u32 $0x60, s22  }
0x43: {  	[tilespmem:s10], [sflag:$0x1] =	stream.indirect.gather [hbm4b:s18+s17], $0x1, s25, s17, $0xb8;
	[tilespmem:$0x7980] =	vst v63  }
0x44: {  	s10 =	sadd.s32 $0x4080, s21;
	s25 =	sor.u32 $0x400, s22  }
0x45: {  	[tilespmem:s10], [sflag:$0x1] =	stream.indirect.gather [hbm4b:s18+s17], $0x1, s25, s17, $0xb8;
	[tilespmem:$0x7980] =	vst v63  }
0x46: {  	s10 =	sadd.s32 $0x40A0, s21;
	s25 =	sor.u32 $0x420, s22  }
0x47: {  	[tilespmem:s10], [sflag:$0x1] =	stream.indirect.gather [hbm4b:s18+s17], $0x1, s25, s17, $0xb8;
	[tilespmem:$0x7980] =	vst v63  }
0x48: {  	s10 =	sadd.s32 $0x40C0, s21;
	s25 =	sor.u32 $0x440, s22  }
0x49: {  	[tilespmem:s10], [sflag:$0x1] =	stream.indirect.gather [hbm4b:s18+s17], $0x1, s25, s17, $0xb8;
	[tilespmem:$0x7980] =	vst v63  }
0x4a: {  	s10 =	sadd.s32 $0x40E0, s21;
	s25 =	sor.u32 $0x460, s22  }
0x4b: {  	[tilespmem:s10], [sflag:$0x1] =	stream.indirect.gather [hbm4b:s18+s17], $0x1, s25, s17, $0xb8;
	[tilespmem:$0x7980] =	vst v63  }
0x4c: {  	s10 =	sadd.s32 $0x4100, s21;
	s25 =	sor.u32 $0x800, s22  }
0x4d: {  	[tilespmem:s10], [sflag:$0x1] =	stream.indirect.gather [hbm4b:s18+s17], $0x1, s25, s17, $0xb8;
	[tilespmem:$0x7980] =	vst v63  }
0x4e: {  	s10 =	sadd.s32 $0x4120, s21;
	s25 =	sor.u32 $0x820, s22  }
0x4f: {  	[tilespmem:s10], [sflag:$0x1] =	stream.indirect.gather [hbm4b:s18+s17], $0x1, s25, s17, $0xb8;
	[tilespmem:$0x7980] =	vst v63  }
0x50: {  	s10 =	sadd.s32 $0x4140, s21;
	s25 =	sor.u32 $0x840, s22  }
0x51: {  	[tilespmem:s10], [sflag:$0x1] =	stream.indirect.gather [hbm4b:s18+s17], $0x1, s25, s17, $0xb8;
	[tilespmem:$0x7980] =	vst v63  }
0x52: {  	s10 =	sadd.s32 $0x4160, s21;
	s25 =	sor.u32 $0x860, s22  }
0x53: {  	[tilespmem:s10], [sflag:$0x1] =	stream.indirect.gather [hbm4b:s18+s17], $0x1, s25, s17, $0xb8;
	[tilespmem:$0x7980] =	vst v63  }
0x54: {  	s10 =	sadd.s32 $0x4180, s21;
	s25 =	sor.u32 $0xC00, s22  }
0x55: {  	[tilespmem:s10], [sflag:$0x1] =	stream.indirect.gather [hbm4b:s18+s17], $0x1, s25, s17, $0xb8;
	[tilespmem:$0x7980] =	vst v63  }
0x56: {  	s10 =	sadd.s32 $0x41A0, s21  }
.Ltmp0:
0x57: {  	s25 =	sor.u32 $0xC20, s22;
	s18 =	sadd.s32 $0x30D4, s18;
	(pc) =	sbr.rel @p0 .LBB2_2-.Ltmp0, $4  }
0x58: {  	[tilespmem:s10], [sflag:$0x1] =	stream.indirect.gather [hbm4b:s23+s17], $0x1, s25, s17, $0xb8;
	[tilespmem:$0x7980] =	vst v63  }
0x59: {  	s19 =	sadd.s32 $0x200, s19;
	s10 =	sadd.s32 $0x41C0, s21;
	s25 =	sor.u32 $0xC40, s22  }
0x5a: {  	[tilespmem:s10], [sflag:$0x1] =	stream.indirect.gather [hbm4b:s23+s17], $0x1, s25, s17, $0xb8;
	[tilespmem:$0x7980] =	vst v63  }
0x5b: {  	s20 =	sadd.s32 $0x80, s20;
	s10 =	sadd.s32 $0x41E0, s21;
	s21 =	sor.u32 $0xC60, s22  }
0x5c: {  	[tilespmem:s10], [sflag:$0x1] =	stream.indirect.gather [hbm4b:s23+s17], $0x1, s21, s17, $0xb8;
	[tilespmem:$0x7980] =	vst v63  }
0x5d: {  	s21 =	simm.s32 $0x680;
	s12 =	simm.s32 $0x1A00  }
0x5e: {  	s12 =	sand.u32 $0x3000, s12;
	s10 =	sand.u32 $0x380, s21  }
0x5f: {  	s22 =	simm.s32 $0x5A00;
	s10 =	sor.u32 s10, s12  }
0x60: {  	[tilespmem:s22], [sflag:$0x2] =	stream.indirect.gather [hbm4b:s24+s17], $0x1, s10, s17, $0xb8;
	[tilespmem:$0x7980] =	vst v63  }
0x61: {  	s23 =	simm.s32 $0x5A20;
	s18 =	sor.u32 $0x20, s10  }
0x62: {  	[tilespmem:s23], [sflag:$0x2] =	stream.indirect.gather [hbm4b:s24+s17], $0x1, s18, s17, $0xb8;
	[tilespmem:$0x7980] =	vst v63  }
0x63: {  	s25 =	simm.s32 $0x5A40;
	s26 =	sor.u32 $0x40, s10  }
0x64: {  	[tilespmem:s25], [sflag:$0x2] =	stream.indirect.gather [hbm4b:s24+s17], $0x1, s26, s17, $0xb8;
	[tilespmem:$0x7980] =	vst v63  }
0x65: {  	s19 =	sor.u32 $0x60, s10;
	s18 =	simm.s32 $0x5A60  }
0x66: {  	[tilespmem:s18], [sflag:$0x2] =	stream.indirect.gather [hbm4b:s24+s17], $0x1, s19, s17, $0xb8;
	[tilespmem:$0x7980] =	vst v63  }
0x67: {  	s20 =	simm.s32 $0x5A80;
	s21 =	sor.u32 $0x400, s10  }
0x68: {  	[tilespmem:s20], [sflag:$0x2] =	stream.indirect.gather [hbm4b:s24+s17], $0x1, s21, s17, $0xb8;
	[tilespmem:$0x7980] =	vst v63  }
0x69: {  	s22 =	simm.s32 $0x5AA0;
	s23 =	sor.u32 $0x420, s10  }
0x6a: {  	[tilespmem:s22], [sflag:$0x2] =	stream.indirect.gather [hbm4b:s24+s17], $0x1, s23, s17, $0xb8;
	[tilespmem:$0x7980] =	vst v63  }
0x6b: {  	s25 =	simm.s32 $0x5AC0;
	s26 =	sor.u32 $0x440, s10  }
0x6c: {  	[tilespmem:s25], [sflag:$0x2] =	stream.indirect.gather [hbm4b:s24+s17], $0x1, s26, s17, $0xb8;
	[tilespmem:$0x7980] =	vst v63  }
0x6d: {  	s18 =	simm.s32 $0x5AE0;
	s19 =	sor.u32 $0x460, s10  }
0x6e: {  	[tilespmem:s18], [sflag:$0x2] =	stream.indirect.gather [hbm4b:s24+s17], $0x1, s19, s17, $0xb8;
	[tilespmem:$0x7980] =	vst v63  }
0x6f: {  	s20 =	simm.s32 $0x5B00;
	s21 =	sor.u32 $0x800, s10  }
0x70: {  	[tilespmem:s20], [sflag:$0x2] =	stream.indirect.gather [hbm4b:s24+s17], $0x1, s21, s17, $0xb8;
	[tilespmem:$0x7980] =	vst v63  }
0x71: {  	s22 =	simm.s32 $0x5B20;
	s23 =	sor.u32 $0x820, s10  }
0x72: {  	[tilespmem:s22], [sflag:$0x2] =	stream.indirect.gather [hbm4b:s24+s17], $0x1, s23, s17, $0xb8;
	[tilespmem:$0x7980] =	vst v63  }
0x73: {  	s12 =	simm.s32 $0x0;
	s25 =	simm.s32 $0x5B40;
	s26 =	sor.u32 $0x840, s10  }
0x74: {  	[tilespmem:s25], [sflag:$0x2] =	stream.indirect.gather [hbm4b:s24+s17], $0x1, s26, s17, $0xb8;
	[tilespmem:$0x7980] =	vst v63  }
0x75: {  	s19 =	simm.s32 $0x5B60;
	s18 =	simm.s32 $0x800;
	s20 =	sor.u32 $0x860, s10  }
0x76: {  	[tilespmem:s19], [sflag:$0x2] =	stream.indirect.gather [hbm4b:s24+s17], $0x1, s20, s17, $0xb8;
	[tilespmem:$0x7980] =	vst v63  }
0x77: {  	s21 =	simm.s32 $0x5B80;
	s22 =	sor.u32 $0xC00, s10;
	s23 =	simm.s32 $0x5BA0  }
0x78: {  	[tilespmem:s21], [sflag:$0x2] =	stream.indirect.gather [hbm4b:s24+s17], $0x1, s22, s17, $0xb8;
	[tilespmem:$0x7980] =	vst v63  }
0x79: {  	s25 =	sor.u32 $0xC20, s10;
	s26 =	simm.s32 $0x5BC0;
	s19 =	sor.u32 $0xC40, s10  }
0x7a: {  	[tilespmem:s23], [sflag:$0x2] =	stream.indirect.gather [hbm4b:s24+s17], $0x1, s25, s17, $0xb8;
	[tilespmem:$0x7980] =	vst v63  }
0x7b: {  	s20 =	simm.s32 $0x700;
	s22 =	simm.s32 $0x5BE0;
	s21 =	sadd.s32 $0x30D4, s24  }
0x7c: {  	[tilespmem:s26], [sflag:$0x2] =	stream.indirect.gather [hbm4b:s24+s17], $0x1, s19, s17, $0xb8;
	[tilespmem:$0x7980] =	vst v63  }
0x7d: {  	s23 =	sor.u32 $0xC60, s10;
	s10 =	smov.u32 s24;
	s19 =	simm.s32 $0x1C00  }
.LBB2_4:
0x7e: {  	[tilespmem:s22], [sflag:$0x2] =	stream.indirect.gather [hbm4b:s10+s17], $0x1, s23, s17, $0xb8;
	[tilespmem:$0x7980] =	vst v63  }
0x7f: {  	s10 =	sand.u32 $0x3000, s19;
	s23 =	sand.u32 $0x380, s20;
	s22 =	sshra.s32 s18, $0x2  }
0x80: {  	p0 =	sne.s32 s18, $0x5800;
	s23 =	sor.u32 s23, s10;
	s10 =	sadd.s32 $0x5A00, s22  }
0x81: {  	[tilespmem:s10], [sflag:$0x2] =	stream.indirect.gather [hbm4b:s21+s17], $0x1, s23, s17, $0xb8;
	[tilespmem:$0x7980] =	vst v63  }
0x82: {  	s18 =	sadd.s32 $0x800, s18;
	s25 =	sor.u32 $0x20, s23;
	s10 =	sadd.s32 $0x5A20, s22  }
0x83: {  	[tilespmem:s10], [sflag:$0x2] =	stream.indirect.gather [hbm4b:s21+s17], $0x1, s25, s17, $0xb8;
	[tilespmem:$0x7980] =	vst v63  }
0x84: {  	s26 =	sor.u32 $0x40, s23;
	s25 =	sadd.s32 $0x5A40, s22;
	s10 =	smov.u32 s21  }
0x85: {  	[tilespmem:s25], [sflag:$0x2] =	stream.indirect.gather [hbm4b:s21+s17], $0x1, s26, s17, $0xb8;
	[tilespmem:$0x7980] =	vst v63  }
0x86: {  	s25 =	sadd.s32 $0x5A60, s22;
	s26 =	sor.u32 $0x60, s23  }
0x87: {  	[tilespmem:s25], [sflag:$0x2] =	stream.indirect.gather [hbm4b:s21+s17], $0x1, s26, s17, $0xb8;
	[tilespmem:$0x7980] =	vst v63  }
0x88: {  	s25 =	sadd.s32 $0x5A80, s22;
	s26 =	sor.u32 $0x400, s23  }
0x89: {  	[tilespmem:s25], [sflag:$0x2] =	stream.indirect.gather [hbm4b:s21+s17], $0x1, s26, s17, $0xb8;
	[tilespmem:$0x7980] =	vst v63  }
0x8a: {  	s25 =	sadd.s32 $0x5AA0, s22;
	s26 =	sor.u32 $0x420, s23  }
0x8b: {  	[tilespmem:s25], [sflag:$0x2] =	stream.indirect.gather [hbm4b:s21+s17], $0x1, s26, s17, $0xb8;
	[tilespmem:$0x7980] =	vst v63  }
0x8c: {  	s25 =	sadd.s32 $0x5AC0, s22;
	s26 =	sor.u32 $0x440, s23  }
0x8d: {  	[tilespmem:s25], [sflag:$0x2] =	stream.indirect.gather [hbm4b:s21+s17], $0x1, s26, s17, $0xb8;
	[tilespmem:$0x7980] =	vst v63  }
0x8e: {  	s25 =	sadd.s32 $0x5AE0, s22;
	s26 =	sor.u32 $0x460, s23  }
0x8f: {  	[tilespmem:s25], [sflag:$0x2] =	stream.indirect.gather [hbm4b:s21+s17], $0x1, s26, s17, $0xb8;
	[tilespmem:$0x7980] =	vst v63  }
0x90: {  	s25 =	sadd.s32 $0x5B00, s22;
	s26 =	sor.u32 $0x800, s23  }
0x91: {  	[tilespmem:s25], [sflag:$0x2] =	stream.indirect.gather [hbm4b:s21+s17], $0x1, s26, s17, $0xb8;
	[tilespmem:$0x7980] =	vst v63  }
0x92: {  	s25 =	sadd.s32 $0x5B20, s22;
	s26 =	sor.u32 $0x820, s23  }
0x93: {  	[tilespmem:s25], [sflag:$0x2] =	stream.indirect.gather [hbm4b:s21+s17], $0x1, s26, s17, $0xb8;
	[tilespmem:$0x7980] =	vst v63  }
0x94: {  	s25 =	sadd.s32 $0x5B40, s22;
	s26 =	sor.u32 $0x840, s23  }
0x95: {  	[tilespmem:s25], [sflag:$0x2] =	stream.indirect.gather [hbm4b:s21+s17], $0x1, s26, s17, $0xb8;
	[tilespmem:$0x7980] =	vst v63  }
0x96: {  	s25 =	sadd.s32 $0x5B60, s22;
	s26 =	sor.u32 $0x860, s23  }
0x97: {  	[tilespmem:s25], [sflag:$0x2] =	stream.indirect.gather [hbm4b:s21+s17], $0x1, s26, s17, $0xb8;
	[tilespmem:$0x7980] =	vst v63  }
0x98: {  	s19 =	sadd.s32 $0x200, s19;
	s25 =	sadd.s32 $0x5B80, s22;
	s26 =	sor.u32 $0xC00, s23  }
0x99: {  	[tilespmem:s25], [sflag:$0x2] =	stream.indirect.gather [hbm4b:s21+s17], $0x1, s26, s17, $0xb8;
	[tilespmem:$0x7980] =	vst v63  }
.Ltmp1:
0x9a: {  	s25 =	sadd.s32 $0x5BA0, s22;
	s26 =	sor.u32 $0xC20, s23;
	(pc) =	sbr.rel @p0 .LBB2_4-.Ltmp1, $4  }
0x9b: {  	[tilespmem:s25], [sflag:$0x2] =	stream.indirect.gather [hbm4b:s21+s17], $0x1, s26, s17, $0xb8;
	[tilespmem:$0x7980] =	vst v63  }
0x9c: {  	s20 =	sadd.s32 $0x80, s20;
	s25 =	sadd.s32 $0x5BC0, s22;
	s26 =	sor.u32 $0xC40, s23  }
0x9d: {  	[tilespmem:s25], [sflag:$0x2] =	stream.indirect.gather [hbm4b:s21+s17], $0x1, s26, s17, $0xb8;
	[tilespmem:$0x7980] =	vst v63  }
0x9e: {  	s22 =	sadd.s32 $0x5BE0, s22;
	s23 =	sor.u32 $0xC60, s23;
	s21 =	sadd.s32 $0x30D4, s21  }
0x9f: {  	[tilespmem:s22], [sflag:$0x2] =	stream.indirect.gather [hbm4b:s10+s17], $0x1, s23, s17, $0xb8;
	[tilespmem:$0x7980] =	vst v63  }
0xa0: {  	s25 =	sand.u32 $0x3000, s12  }
0xa1: {  	s26 =	sand.u32 $0x70, s12;
	s10 =	sshrl.u32 s25, $0x2  }
0xa2: {  	s10 =	sor.u32 s26, s10  }
0xa3: {  	v0 =	vld [tilespmem:s10+$0x3080];
	_ =	sdelay $0x3  }
0xa4: {  	s12 =	simm.s32 $0x200;
	s19 =	simm.s32 $0x10  }
0xa5: {  	s18 =	simm.s32 $0x20;
	s20 =	sand.u32 $0x3000, s12;
	s10 =	simm.s32 $0x7400;
	vm0 =	vlt.s32 v0, $0x1865F  }
.LBB2_6:
0xa6: {  	p0 =	sne.s32 s18, $0x1F0;
	s19 =	sand.u32 $0x70, s19;
	s20 =	sshrl.u32 s20, $0x2;
	v0 =	vnsel vm0, $0x1865F, v0  }
0xa7: {  	s20 =	sor.u32 s19, s20;
	[tilespmem:s10+$0x0] =	vst v0;
	s19 =	smov.u32 s18  }
0xa8: {  	v0 =	vld [tilespmem:s20+$0x3080]  }
.Ltmp2:
0xa9: {  	(pc) =	sbr.rel @p0 .LBB2_6-.Ltmp2, $3  }
0xaa: {  	_ =	sdelay $0x1  }
0xab: {  	s12 =	sadd.s32 $0x200, s12  }
0xac: {  	s18 =	sadd.s32 $0x10, s18;
	s10 =	sadd.s32 $0x10, s10;
	s20 =	sand.u32 $0x3000, s12;
	vm0 =	vlt.s32 v0, $0x1865F  }
0xad: {  	s12 =	sand.u32 $0x70, s19;
	s18 =	sshrl.u32 s20, $0x2;
	v0 =	vnsel vm0, $0x1865F, v0  }
0xae: {  	s12 =	sor.u32 s12, s18;
	[tilespmem:s10+$0x0] =	vst v0  }
0xaf: {  	v0 =	vld [tilespmem:s12+$0x3080];
	_ =	sdelay $0x4  }
0xb0: {  	vm15 =	vlt.s32 v0, $0x1865F  }
0xb1: {  	s19 =	sadd.s32 $0x10, s10;
	v0 =	vnsel vm15, $0x1865F, v0  }
0xb2: {  	s20 =	simm.s32 $0x7400;
	s21 =	simm.s32 $0x7200;
	[tilespmem:s19+$0x0] =	vst v0  }
0xb3: {  	[tilespmem:s21], [sflag:$0x2] =	stream.indirect.gather [hbm4b:s7+s17], $0x1, s20, s17, $0xb8;
	[tilespmem:$0x7980] =	vst v63  }
0xb4: {  	s22 =	simm.s32 $0x7420;
	s23 =	simm.s32 $0x7220  }
0xb5: {  	[tilespmem:s23], [sflag:$0x2] =	stream.indirect.gather [hbm4b:s7+s17], $0x1, s22, s17, $0xb8;
	[tilespmem:$0x7980] =	vst v63  }
0xb6: {  	s25 =	simm.s32 $0x7440;
	s26 =	simm.s32 $0x7240  }
0xb7: {  	[tilespmem:s26], [sflag:$0x2] =	stream.indirect.gather [hbm4b:s7+s17], $0x1, s25, s17, $0xb8;
	[tilespmem:$0x7980] =	vst v63  }
0xb8: {  	s18 =	simm.s32 $0x7460;
	s19 =	simm.s32 $0x7260  }
0xb9: {  	[tilespmem:s19], [sflag:$0x2] =	stream.indirect.gather [hbm4b:s7+s17], $0x1, s18, s17, $0xb8;
	[tilespmem:$0x7980] =	vst v63  }
0xba: {  	s20 =	simm.s32 $0x7480;
	s21 =	simm.s32 $0x7280  }
0xbb: {  	[tilespmem:s21], [sflag:$0x2] =	stream.indirect.gather [hbm4b:s7+s17], $0x1, s20, s17, $0xb8;
	[tilespmem:$0x7980] =	vst v63  }
0xbc: {  	s22 =	simm.s32 $0x74A0;
	s23 =	simm.s32 $0x72A0  }
0xbd: {  	[tilespmem:s23], [sflag:$0x2] =	stream.indirect.gather [hbm4b:s7+s17], $0x1, s22, s17, $0xb8;
	[tilespmem:$0x7980] =	vst v63  }
0xbe: {  	s25 =	simm.s32 $0x74C0;
	s26 =	simm.s32 $0x72C0  }
0xbf: {  	[tilespmem:s26], [sflag:$0x2] =	stream.indirect.gather [hbm4b:s7+s17], $0x1, s25, s17, $0xb8;
	[tilespmem:$0x7980] =	vst v63  }
0xc0: {  	s18 =	simm.s32 $0x74E0;
	s19 =	simm.s32 $0x72E0  }
0xc1: {  	[tilespmem:s19], [sflag:$0x2] =	stream.indirect.gather [hbm4b:s7+s17], $0x1, s18, s17, $0xb8;
	[tilespmem:$0x7980] =	vst v63  }
0xc2: {  	s20 =	simm.s32 $0x7500;
	s21 =	simm.s32 $0x7300  }
0xc3: {  	[tilespmem:s21], [sflag:$0x2] =	stream.indirect.gather [hbm4b:s7+s17], $0x1, s20, s17, $0xb8;
	[tilespmem:$0x7980] =	vst v63  }
0xc4: {  	s22 =	simm.s32 $0x7520;
	s23 =	simm.s32 $0x7320  }
0xc5: {  	[tilespmem:s23], [sflag:$0x2] =	stream.indirect.gather [hbm4b:s7+s17], $0x1, s22, s17, $0xb8;
	[tilespmem:$0x7980] =	vst v63  }
0xc6: {  	s25 =	simm.s32 $0x7540;
	s26 =	simm.s32 $0x7340  }
0xc7: {  	[tilespmem:s26], [sflag:$0x2] =	stream.indirect.gather [hbm4b:s7+s17], $0x1, s25, s17, $0xb8;
	[tilespmem:$0x7980] =	vst v63  }
0xc8: {  	s18 =	simm.s32 $0x7560;
	s19 =	simm.s32 $0x7360  }
0xc9: {  	[tilespmem:s19], [sflag:$0x2] =	stream.indirect.gather [hbm4b:s7+s17], $0x1, s18, s17, $0xb8;
	[tilespmem:$0x7980] =	vst v63  }
0xca: {  	s20 =	simm.s32 $0x7580;
	s21 =	simm.s32 $0x7380  }
0xcb: {  	[tilespmem:s21], [sflag:$0x2] =	stream.indirect.gather [hbm4b:s7+s17], $0x1, s20, s17, $0xb8;
	[tilespmem:$0x7980] =	vst v63  }
0xcc: {  	s22 =	simm.s32 $0x75A0  }
0xcd: {  	[tilespmem:s28], [sflag:$0x2] =	stream.indirect.gather [hbm4b:s7+s17], $0x1, s22, s17, $0xb8;
	[tilespmem:$0x7980] =	vst v63  }
0xce: {  	_ = 	snop  }
0xcf: {  	[tilespmem:s30], [sflag:$0x2] =	stream.indirect.gather [hbm4b:s7+s17], $0x1, s29, s17, $0xb8;
	[tilespmem:$0x7980] =	vst v63  }
0xd0: {  	_ = 	snop  }
0xd1: {  	[tilespmem:s0], [sflag:$0x2] =	stream.indirect.gather [hbm4b:s7+s17], $0x1, s31, s17, $0xb8;
	[tilespmem:$0x7980] =	vst v63  }
0xd2: {  	_ =	swait.ge [sflag:s16], $0x1A00  }
0xd3: {  	[sflag:s16] =	ssyncset.done $0x0  }
0xd4: {  	s23 =	simm.s32 $0x4000;
	[sflag:s16] =	ssyncadd.s32 $0xFFFFE600  }
0xd5: {  	s25 =	simm.s32 $0x0;
	v0 =	vld [tilespmem:s23+$0x0]  }
0xd6: {  	s26 =	sand.u32 $0x1F0, s25  }
0xd7: {  	v1 =	vld [tilespmem:s26+$0x4200];
	_ =	sdelay $0x1  }
0xd8: {  	v2 =	vld [tilespmem:s26+$0x4400]  }
0xd9: {  	v0 =	vadd.f32 $0.0e+00, v0  }
0xda: {  	v3 =	vld [tilespmem:s26+$0x4600]  }
0xdb: {  	v0 =	vadd.f32 v1, v0  }
0xdc: {  	v1 =	vld [tilespmem:s26+$0x4800]  }
0xdd: {  	v0 =	vadd.f32 v2, v0  }
0xde: {  	v2 =	vld [tilespmem:s26+$0x4A00]  }
0xdf: {  	v0 =	vadd.f32 v3, v0  }
0xe0: {  	v3 =	vld [tilespmem:s26+$0x4C00]  }
0xe1: {  	v0 =	vadd.f32 v1, v0  }
0xe2: {  	v1 =	vld [tilespmem:s26+$0x4E00]  }
0xe3: {  	v0 =	vadd.f32 v2, v0  }
0xe4: {  	v2 =	vld [tilespmem:s26+$0x5000]  }
0xe5: {  	v0 =	vadd.f32 v3, v0  }
0xe6: {  	v3 =	vld [tilespmem:s26+$0x5200]  }
0xe7: {  	v0 =	vadd.f32 v1, v0  }
0xe8: {  	v1 =	vld [tilespmem:s26+$0x5400]  }
0xe9: {  	v0 =	vadd.f32 v2, v0  }
0xea: {  	v2 =	vld [tilespmem:s26+$0x5600]  }
0xeb: {  	v0 =	vadd.f32 v3, v0  }
0xec: {  	v3 =	vld [tilespmem:s26+$0x5800]  }
0xed: {  	v0 =	vadd.f32 v1, v0;
	_ =	sdelay $0x1  }
0xee: {  	v0 =	vadd.f32 v2, v0;
	_ =	sdelay $0x1  }
0xef: {  	v0 =	vadd.f32 v3, v0  }
0xf0: {  	s12 =	simm.s32 $0x7700  }
0xf1: {  	s10 =	simm.s32 $0x4010;
	[tilespmem:s12+$0x0] =	vst v0  }
0xf2: {  	s18 =	simm.s32 $0x10;
	s19 =	simm.s32 $0x20;
	v0 =	vld [tilespmem:s10+$0x0]  }
.LBB2_8:
0xf3: {  	p0 =	sne.s32 s19, $0x1F0;
	s20 =	sand.u32 $0x1F0, s18;
	s18 =	smov.u32 s19  }
0xf4: {  	v1 =	vld [tilespmem:s20+$0x4200];
	_ =	sdelay $0x1  }
0xf5: {  	v2 =	vld [tilespmem:s20+$0x4400]  }
0xf6: {  	v0 =	vadd.f32 $0.0e+00, v0  }
0xf7: {  	v3 =	vld [tilespmem:s20+$0x4600]  }
0xf8: {  	v0 =	vadd.f32 v1, v0  }
0xf9: {  	v1 =	vld [tilespmem:s20+$0x4800]  }
0xfa: {  	v0 =	vadd.f32 v2, v0  }
0xfb: {  	v2 =	vld [tilespmem:s20+$0x4A00]  }
0xfc: {  	v0 =	vadd.f32 v3, v0  }
0xfd: {  	v3 =	vld [tilespmem:s20+$0x4C00]  }
0xfe: {  	v0 =	vadd.f32 v1, v0  }
0xff: {  	v1 =	vld [tilespmem:s20+$0x4E00]  }
0x100: {  	v0 =	vadd.f32 v2, v0  }
0x101: {  	v2 =	vld [tilespmem:s20+$0x5000]  }
0x102: {  	v0 =	vadd.f32 v3, v0  }
0x103: {  	v3 =	vld [tilespmem:s20+$0x5200]  }
0x104: {  	v0 =	vadd.f32 v1, v0  }
0x105: {  	v1 =	vld [tilespmem:s20+$0x5400]  }
0x106: {  	v0 =	vadd.f32 v2, v0  }
0x107: {  	v2 =	vld [tilespmem:s20+$0x5600]  }
0x108: {  	v0 =	vadd.f32 v3, v0  }
0x109: {  	v3 =	vld [tilespmem:s20+$0x5800]  }
0x10a: {  	v0 =	vadd.f32 v1, v0;
	_ =	sdelay $0x1  }
0x10b: {  	v0 =	vadd.f32 v2, v0  }
.Ltmp3:
0x10c: {  	(pc) =	sbr.rel @p0 .LBB2_8-.Ltmp3, $4  }
0x10d: {  	v0 =	vadd.f32 v3, v0  }
0x10e: {  	s12 =	sadd.s32 $0x10, s12  }
0x10f: {  	s10 =	sadd.s32 $0x10, s10;
	[tilespmem:s12+$0x0] =	vst v0  }
0x110: {  	s19 =	sadd.s32 $0x10, s19;
	v0 =	vld [tilespmem:s10+$0x0]  }
0x111: {  	s10 =	sand.u32 $0x1F0, s18  }
0x112: {  	v1 =	vld [tilespmem:s10+$0x4200];
	_ =	sdelay $0x1  }
0x113: {  	v2 =	vld [tilespmem:s10+$0x4400]  }
0x114: {  	v0 =	vadd.f32 $0.0e+00, v0  }
0x115: {  	v3 =	vld [tilespmem:s10+$0x4600]  }
0x116: {  	v0 =	vadd.f32 v1, v0  }
0x117: {  	v1 =	vld [tilespmem:s10+$0x4800]  }
0x118: {  	v0 =	vadd.f32 v2, v0  }
0x119: {  	v2 =	vld [tilespmem:s10+$0x4A00]  }
0x11a: {  	v0 =	vadd.f32 v3, v0  }
0x11b: {  	v3 =	vld [tilespmem:s10+$0x4C00]  }
0x11c: {  	v0 =	vadd.f32 v1, v0  }
0x11d: {  	v1 =	vld [tilespmem:s10+$0x4E00]  }
0x11e: {  	v0 =	vadd.f32 v2, v0  }
0x11f: {  	v2 =	vld [tilespmem:s10+$0x5000]  }
0x120: {  	v0 =	vadd.f32 v3, v0  }
0x121: {  	v3 =	vld [tilespmem:s10+$0x5200]  }
0x122: {  	v0 =	vadd.f32 v1, v0  }
0x123: {  	v1 =	vld [tilespmem:s10+$0x5400]  }
0x124: {  	v0 =	vadd.f32 v2, v0  }
0x125: {  	v2 =	vld [tilespmem:s10+$0x5600]  }
0x126: {  	v0 =	vadd.f32 v3, v0  }
0x127: {  	v3 =	vld [tilespmem:s10+$0x5800]  }
0x128: {  	v0 =	vadd.f32 v1, v0;
	_ =	sdelay $0x1  }
0x129: {  	v0 =	vadd.f32 v2, v0;
	_ =	sdelay $0x1  }
0x12a: {  	v0 =	vadd.f32 v3, v0  }
0x12b: {  	s23 =	sadd.s32 $0x10, s12  }
0x12c: {  	[tilespmem:s23+$0x0] =	vst v0  }
0x12d: {  	_ =	swait.ge [sflag:s3], $0x1A00  }
0x12e: {  	s12 =	simm.s32 $0x0;
	[sflag:s3] =	ssyncset.done $0x0  }
0x12f: {  	s25 =	sand.u32 $0x1F0, s12;
	[sflag:s3] =	ssyncadd.s32 $0xFFFFE600  }
0x130: {  	s26 =	simm.s32 $0x7700;
	v0 =	vld [tilespmem:s25+$0x5A00]  }
0x131: {  	v1 =	vld [tilespmem:s26+$0x0];
	_ =	sdelay $0x1  }
0x132: {  	v2 =	vld [tilespmem:s25+$0x5C00];
	_ =	sdelay $0x1  }
0x133: {  	v3 =	vld [tilespmem:s25+$0x5E00]  }
0x134: {  	v0 =	vadd.f32 v0, v1  }
0x135: {  	v1 =	vld [tilespmem:s25+$0x6000]  }
0x136: {  	v0 =	vadd.f32 v2, v0  }
0x137: {  	v2 =	vld [tilespmem:s25+$0x6200]  }
0x138: {  	s19 =	sand.u32 $0x70, s12;
	s20 =	sand.u32 $0xC00, s12;
	v0 =	vadd.f32 v3, v0  }
0x139: {  	s19 =	sor.u32 s19, s20;
	v4 =	vld [tilespmem:s25+$0x6400]  }
0x13a: {  	v3 =	vld [tilespmem:s19+$0x3080];
	v0 =	vadd.f32 v1, v0  }
0x13b: {  	v1 =	vld [tilespmem:s25+$0x6600]  }
0x13c: {  	v0 =	vadd.f32 v2, v0  }
0x13d: {  	v2 =	vld [tilespmem:s25+$0x6800]  }
0x13e: {  	v0 =	vadd.f32 v4, v0  }
0x13f: {  	v5 =	vld [tilespmem:s25+$0x6A00];
	v60 =	vadd.s32 $0xFFFE7A20, v3  }
0x140: {  	vm0 =	vgt.s32 v60, $0x0;
	v0 =	vadd.f32 v1, v0  }
0x141: {  	v61 =	vld [tilespmem:s25+$0x6C00];
	v1 =	vnsel vm0, $0x0, v60  }
0x142: {  	v0 =	vadd.f32 v2, v0  }
0x143: {  	v2 =	vld [tilespmem:s25+$0x6E00]  }
0x144: {  	v62 =	vld [tilespmem:s25+$0x7000];
	v0 =	vadd.f32 v5, v0  }
0x145: {  	v63 =	vld [tilespmem:s25+$0x7200]  }
0x146: {  	v1 =	vld.idx.msk [tilespmem:v1+s15+$0x0], $0xffff;
	v0 =	vadd.f32 v61, v0;
	_ =	sdelay $0x1  }
0x147: {  	v2 =	vadd.f32 v2, v0  }
0x148: {  	v0 =	vld.msk [tilespmem:s13+$0x0], $0xffff  }
0x149: {  	vm15 =	vgt.s32 v3, $0x1865F;
	v2 =	vadd.f32 v62, v2  }
0x14a: {  	v1 =	vsel vm15, v1, v63  }
0x14b: {  	v1 =	vadd.f32 v1, v2;
	_ =	sdelay $0x1  }
0x14c: {  	v1 =	vadd.f32 v1, v0;
	_ =	sdelay $0x1  }
0x14d: {  	v1 =	vsub.f32 $0.0e+00, v1;
	_ =	sdelay $0x1  }
0x14e: {  	v1 =	vmul.f32 $1.442695020e+00, v1;
	_ =	sdelay $0x1  }
0x14f: {  	(erf) = vpow2.f32 v1;
	_ =	sdelay $0x8  }
0x150: {  	v1 =	vpop (erf)  }
0x151: {  	v1 =	vadd.f32 $1.000000000e+00, v1;
	_ =	sdelay $0x1  }
0x152: {  	(erf) = vrcp.f32 v1;
	_ =	sdelay $0x8  }
0x153: {  	s19 =	simm.s32 $0x10;
	v1 =	vpop (erf)  }
0x154: {  	s21 =	sand.u32 $0x1F0, s19;
	[tilespmem:s26+$0x0] =	vst v1  }
0x155: {  	s18 =	simm.s32 $0x7710;
	s20 =	simm.s32 $0x20;
	v1 =	vld [tilespmem:s21+$0x5A00]  }
.LBB2_10:
0x156: {  	p0 =	sne.s32 s20, $0x1F0;
	v2 =	vld [tilespmem:s18+$0x0];
	_ =	sdelay $0x1  }
0x157: {  	v3 =	vld [tilespmem:s21+$0x5C00];
	_ =	sdelay $0x1  }
0x158: {  	v4 =	vld [tilespmem:s21+$0x5E00]  }
0x159: {  	v1 =	vadd.f32 v1, v2  }
0x15a: {  	s12 =	sadd.s32 $0x80, s12;
	v2 =	vld [tilespmem:s21+$0x6000]  }
0x15b: {  	s10 =	sand.u32 $0x70, s19;
	s19 =	smov.u32 s20;
	s22 =	sand.u32 $0xC00, s12;
	v1 =	vadd.f32 v3, v1  }
0x15c: {  	s10 =	sor.u32 s10, s22;
	v3 =	vld [tilespmem:s21+$0x6200]  }
0x15d: {  	v1 =	vadd.f32 v4, v1;
	v4 =	vld [tilespmem:s10+$0x3080]  }
0x15e: {  	v5 =	vld [tilespmem:s21+$0x6400]  }
0x15f: {  	v1 =	vadd.f32 v2, v1  }
0x160: {  	v2 =	vld [tilespmem:s21+$0x6600]  }
0x161: {  	v1 =	vadd.f32 v3, v1  }
0x162: {  	v3 =	vld [tilespmem:s21+$0x6800]  }
0x163: {  	v1 =	vadd.f32 v5, v1;
	v5 =	vadd.s32 $0xFFFE7A20, v4  }
0x164: {  	v6 =	vld [tilespmem:s21+$0x6A00];
	vm0 =	vgt.s32 v5, $0x0  }
0x165: {  	v1 =	vadd.f32 v2, v1;
	v2 =	vnsel vm0, $0x0, v5  }
0x166: {  	v5 =	vld [tilespmem:s21+$0x6C00]  }
0x167: {  	v1 =	vadd.f32 v3, v1  }
0x168: {  	v3 =	vld [tilespmem:s21+$0x6E00]  }
0x169: {  	v1 =	vadd.f32 v6, v1;
	v6 =	vld [tilespmem:s21+$0x7000]  }
0x16a: {  	v2 =	vld.idx.msk [tilespmem:v2+s15+$0x0], $0xffff  }
0x16b: {  	v1 =	vadd.f32 v5, v1;
	v5 =	vld [tilespmem:s21+$0x7200];
	_ =	sdelay $0x1  }
0x16c: {  	v1 =	vadd.f32 v3, v1;
	_ =	sdelay $0x1  }
0x16d: {  	vm0 =	vgt.s32 v4, $0x1865F;
	v1 =	vadd.f32 v6, v1  }
0x16e: {  	v2 =	vsel vm0, v2, v5  }
0x16f: {  	v1 =	vadd.f32 v2, v1;
	_ =	sdelay $0x1  }
0x170: {  	v1 =	vadd.f32 v1, v0;
	_ =	sdelay $0x1  }
0x171: {  	v1 =	vsub.f32 $0.0e+00, v1;
	_ =	sdelay $0x1  }
0x172: {  	v1 =	vmul.f32 $1.442695020e+00, v1;
	_ =	sdelay $0x1  }
0x173: {  	(erf) = vpow2.f32 v1;
	_ =	sdelay $0x8  }
0x174: {  	v1 =	vpop (erf)  }
0x175: {  	v1 =	vadd.f32 $1.000000000e+00, v1;
	_ =	sdelay $0x1  }
0x176: {  	(erf) = vrcp.f32 v1;
	_ =	sdelay $0x6  }
.Ltmp4:
0x177: {  	(pc) =	sbr.rel @p0 .LBB2_10-.Ltmp4, $4  }
0x178: {  	_ = 	snop  }
0x179: {  	v1 =	vpop (erf)  }
0x17a: {  	s21 =	sand.u32 $0x1F0, s20;
	[tilespmem:s18+$0x0] =	vst v1  }
0x17b: {  	s20 =	sadd.s32 $0x10, s20;
	s18 =	sadd.s32 $0x10, s18;
	v1 =	vld [tilespmem:s21+$0x5A00]  }
0x17c: {  	v2 =	vld [tilespmem:s18+$0x0];
	_ =	sdelay $0x1  }
0x17d: {  	v3 =	vld [tilespmem:s21+$0x5C00];
	_ =	sdelay $0x1  }
0x17e: {  	v4 =	vld [tilespmem:s21+$0x5E00]  }
0x17f: {  	v1 =	vadd.f32 v1, v2  }
0x180: {  	v53 =	vld [tilespmem:s21+$0x6000]  }
0x181: {  	v1 =	vadd.f32 v3, v1  }
0x182: {  	s10 =	sadd.s32 $0x80, s12;
	v54 =	vld [tilespmem:s21+$0x6200]  }
0x183: {  	s26 =	sand.u32 $0x70, s19;
	s10 =	sand.u32 $0xC00, s10;
	v1 =	vadd.f32 v4, v1  }
0x184: {  	v5 =	vld [tilespmem:s21+$0x6400];
	s10 =	sor.u32 s26, s10  }
0x185: {  	v55 =	vld [tilespmem:s10+$0x3080];
	v1 =	vadd.f32 v53, v1  }
0x186: {  	v56 =	vld [tilespmem:s21+$0x6600]  }
0x187: {  	v1 =	vadd.f32 v54, v1  }
0x188: {  	v57 =	vld [tilespmem:s21+$0x6800]  }
0x189: {  	v1 =	vadd.f32 v5, v1  }
0x18a: {  	v6 =	vld [tilespmem:s21+$0x6A00];
	v58 =	vadd.s32 $0xFFFE7A20, v55  }
0x18b: {  	vm0 =	vgt.s32 v58, $0x0;
	v1 =	vadd.f32 v56, v1  }
0x18c: {  	v60 =	vld [tilespmem:s21+$0x6C00];
	v59 =	vnsel vm0, $0x0, v58  }
0x18d: {  	v1 =	vadd.f32 v57, v1  }
0x18e: {  	v61 =	vld [tilespmem:s21+$0x6E00]  }
0x18f: {  	v62 =	vld [tilespmem:s21+$0x7000];
	v1 =	vadd.f32 v6, v1  }
0x190: {  	v63 =	vld [tilespmem:s21+$0x7200]  }
0x191: {  	v2 =	vld.idx.msk [tilespmem:v59+s15+$0x0], $0xffff;
	v1 =	vadd.f32 v60, v1;
	_ =	sdelay $0x1  }
0x192: {  	v1 =	vadd.f32 v61, v1;
	_ =	sdelay $0x1  }
0x193: {  	vm15 =	vgt.s32 v55, $0x1865F;
	v1 =	vadd.f32 v62, v1  }
0x194: {  	v2 =	vsel vm15, v2, v63  }
0x195: {  	v1 =	vadd.f32 v2, v1;
	_ =	sdelay $0x1  }
0x196: {  	v0 =	vadd.f32 v1, v0;
	_ =	sdelay $0x1  }
0x197: {  	v0 =	vsub.f32 $0.0e+00, v0;
	_ =	sdelay $0x1  }
0x198: {  	v0 =	vmul.f32 $1.442695020e+00, v0;
	_ =	sdelay $0x1  }
0x199: {  	(erf) = vpow2.f32 v0;
	_ =	sdelay $0x8  }
0x19a: {  	v0 =	vpop (erf)  }
0x19b: {  	v0 =	vadd.f32 $1.000000000e+00, v0;
	_ =	sdelay $0x1  }
0x19c: {  	(erf) = vrcp.f32 v0;
	_ =	sdelay $0x7  }
0x19d: {  	s11 =	sadd.s32 $0x1, s11  }
0x19e: {  	p0 =	sne.s32 s11, s9;
	v0 =	vpop (erf)  }
.Ltmp5:
0x19f: {  	[tilespmem:s18+$0x0] =	vst v0;
	(pc) =	sbr.rel @p0 .LBB2_1-.Ltmp5, $4  }
0x1a0: {  	[hbm4b:s8+s2] =	stream.linear.scatter [tilespmem:s1], [sflag:$0x3], $0x200, $0x38;
	[tilespmem:$0x7980] =	vst v63  }
0x1a1: {  	_ =	swait.ge [sflag:s14], $0x200  }
0x1a2: {  	[sflag:s14] =	ssyncset.done $0x0  }
0x1a3: {  	[sflag:s14] =	ssyncadd.s32 $0xFFFFFE00  }
0x1a4: {  	_ =	sfence.sel $0x180000  }
0x1a5: {  	[bflag:$0x0] =	sbarrier.arrive $0xFFFF  }
0x1a6: {  	_ =	strace $0x90000047  }
0x1a7: {  	s0 =	stileid.u32;
	[bflag:$0x2] =	sbarrier.arrive $0xFFFF  }
0x1a8: {  	p0 =	sne.s32 s0, $0x0;
	s0 =	rddreg [dreg:$0x4]  }
0x1a9: {  	s0 =	sadd.s32 @!p0 $0x100000, s0  }
0x1aa: {  	[sflag:s0] =	ssyncadd.tile.s32 @!p0 $0x1;
	_ =	shalt  }
.Lfunc_end2:
_tile_overlayer_lowered:
.L_overlay_start_2:
0x1ab: {  	(tag) =	ssettag $0x2  }
0x1ac: {  	s0 =	rddreg [dreg:$0x0];
	s2 =	stileid.u32  }
0x1ad: {  	s1 =	rddreg [dreg:$0x1];
	p0 =	sne.s32 s2, $0x0  }
0x1ae: {  	s3 =	rddreg [dreg:$0x2];
	[bflag:$0x3] =	sbarrier.arrive $0xFFFF;
	s2 =	simm.s32 @!p0 $0x1C03  }
0x1af: {  	[timem:s3], [sflag:s2] =	dma.local @!p0 [hbm:s0], s1  }
0x1b0: {  	s0 =	simm.s32 @!p0 $0x3  }
0x1b1: {  	_ =	swait.ge @!p0 [sflag:s0], s1  }
0x1b2: {  	s1 =	ssub.s32 @!p0 $0x0, s1;
	[sflag:s0] =	ssyncset.done @!p0 $0x0  }
0x1b3: {  	[sflag:s0] =	ssyncadd.s32 @!p0 s1  }
0x1b4: {  	[bflag:$0x3] =	sbarrier.arrive $0xFFFF  }
0x1b5: {  	_ =	shalt  }

</sc_bundles>
